<compile_context>
chip_gen: v7x
topology: tpu7x:2x2x1
jax: 0.10.2.dev20260603
libtpu: 0.0.44.dev20260713+nightly
codegen_flags: <defaults>
</compile_context>

<pallas_src>
import functools

import jax
import jax.numpy as jnp
from jax import lax
from jax.experimental import pallas as pl
from jax.experimental.pallas import tpu as pltpu
from jax.experimental.pallas import tpu_sc as plsc

N_NODES = 10000
N_EDGES = 320000
D = 128

NP = 10240
NC, NS = 2, 16
NW = NC * NS
NPT = NP // NS

EPWP = 10240
EPAD = NW * EPWP

CHD = 128
NCHD = EPWP // CHD

CHA = 80
NCHA = EPWP // CHA

_MESH = plsc.VectorSubcoreMesh(
    core_axis_name="c", subcore_axis_name="s", num_cores=NC, num_subcores=NS
)


@functools.partial(
    pl.kernel,
    out_type=jax.ShapeDtypeStruct((NC, NP), jnp.float32),
    mesh=_MESH,
    scratch_types=[
        pltpu.VMEM((NCHD, CHD), jnp.int32),
        pltpu.VMEM((NPT,), jnp.float32),
        pltpu.VMEM((CHD,), jnp.float32),
        pltpu.VMEM_SHARED((NP,), jnp.float32),
        pltpu.SemaphoreType.DMA((2,)),
    ],
)
def _deg_kernel(row_hbm, out_hbm, row_v, zbuf, ones_v, hist_sh, hsem):
    c = lax.axis_index("c")
    s = lax.axis_index("s")
    wid = s * NC + c

    @pl.loop(0, NPT // 16)
    def _zero(i):
        zbuf[pl.ds(i * 16, 16)] = jnp.zeros((16,), jnp.float32)

    @pl.loop(0, CHD // 16)
    def _one(i):
        ones_v[pl.ds(i * 16, 16)] = jnp.ones((16,), jnp.float32)

    pltpu.sync_copy(zbuf, hist_sh.at[pl.ds(s * NPT, NPT)])
    pltpu.sync_copy(row_hbm.at[wid], row_v)
    plsc.subcore_barrier()

    def hs(j, b):
        pltpu.async_copy(ones_v, hist_sh.at[row_v.at[j]], hsem.at[b],
                         add=True)

    def hw(j, b):
        pltpu.make_async_copy(ones_v, hist_sh.at[row_v.at[j]],
                              hsem.at[b]).wait()

    hs(0, 0)
    hs(1, 1)

    @pl.loop(1, NCHD // 2)
    def _hist(t):
        for b in (0, 1):
            j = t * 2 + b
            hw(j - 2, b)
            hs(j, b)

    hw(NCHD - 2, 0)
    hw(NCHD - 1, 1)
    plsc.subcore_barrier()
    pltpu.sync_copy(hist_sh.at[pl.ds(s * NPT, NPT)],
                    out_hbm.at[c, pl.ds(s * NPT, NPT)])


@functools.partial(
    pl.kernel,
    out_type=jax.ShapeDtypeStruct((NC, NP, D), jnp.float32),
    mesh=_MESH,
    scratch_types=[
        pltpu.VMEM((EPWP,), jnp.int32),
        pltpu.VMEM((NCHA, CHA), jnp.int32),
        pltpu.VMEM((2, CHA, D), jnp.float32),
        pltpu.VMEM_SHARED((NP, D), jnp.float32),
        pltpu.SemaphoreType.DMA((2,)),
        pltpu.SemaphoreType.DMA((2,)),
    ],
)
def _agg_kernel(y_hbm, col_hbm, row_hbm, out_hbm,
                col_v, row_v, gbuf, s_sh, gsem, ssem):
    c = lax.axis_index("c")
    s = lax.axis_index("s")
    wid = s * NC + c

    @pl.when(c == 0)
    def _init_y():
        pltpu.sync_copy(y_hbm.at[pl.ds(s * NPT, NPT)],
                        s_sh.at[pl.ds(s * NPT, NPT)])

    @pl.when(c != 0)
    def _init_z():
        @pl.loop(0, CHA * (D // 16))
        def _zero(i):
            gbuf[0, i // (D // 16), pl.ds((i % (D // 16)) * 16, 16)] = (
                jnp.zeros((16,), jnp.float32))

        @pl.loop(0, NPT // CHA)
        def _zinit(k):
            pltpu.sync_copy(gbuf.at[0],
                            s_sh.at[pl.ds(s * NPT + k * CHA, CHA)])

    pltpu.sync_copy(col_hbm.at[wid], col_v)
    pltpu.sync_copy(row_hbm.at[wid], row_v)
    plsc.subcore_barrier()

    def sg(j, b):
        pltpu.async_copy(y_hbm.at[col_v.at[pl.ds(j * CHA, CHA)]],
                         gbuf.at[b], gsem.at[b])

    def wg(j, b):
        pltpu.make_async_copy(y_hbm.at[col_v.at[pl.ds(j * CHA, CHA)]],
                              gbuf.at[b], gsem.at[b]).wait()

    def ss(j, b):
        pltpu.async_copy(gbuf.at[b], s_sh.at[row_v.at[j]],
                         ssem.at[b], add=True)

    def ws(j, b):
        pltpu.make_async_copy(gbuf.at[b], s_sh.at[row_v.at[j]],
                              ssem.at[b]).wait()

    sg(0, 0)
    sg(1, 1)
    wg(0, 0)
    ss(0, 0)

    @pl.loop(1, NCHA // 2)
    def _edges(t):
        for b in (0, 1):
            j = t * 2 + b
            ws(j - 2, b)
            sg(j, b)
            wg(j - 1, 1 - b)
            ss(j - 1, 1 - b)

    wg(NCHA - 1, 1)
    ss(NCHA - 1, 1)
    ws(NCHA - 2, 0)
    ws(NCHA - 1, 1)

    plsc.subcore_barrier()
    pltpu.sync_copy(s_sh.at[pl.ds(s * NPT, NPT)],
                    out_hbm.at[c, pl.ds(s * NPT, NPT)])


def _scale_body(h0_ref, h1_ref, x_ref, ybar_ref, dinv_ref):
    deg = h0_ref[...] + h1_ref[...] + 1.0
    dinv = lax.rsqrt(deg)
    dinv_ref[...] = dinv
    ybar_ref[...] = dinv * x_ref[...]


_scale_call = pl.pallas_call(
    _scale_body,
    grid=(NP // 1024,),
    in_specs=[
        pl.BlockSpec((1024, 1), lambda i: (i, 0)),
        pl.BlockSpec((1024, 1), lambda i: (i, 0)),
        pl.BlockSpec((1024, D), lambda i: (i, 0)),
    ],
    out_specs=[
        pl.BlockSpec((1024, D), lambda i: (i, 0)),
        pl.BlockSpec((1024, 1), lambda i: (i, 0)),
    ],
    out_shape=[
        jax.ShapeDtypeStruct((NP, D), jnp.float32),
        jax.ShapeDtypeStruct((NP, 1), jnp.float32),
    ],
)


def _final_body(s0_ref, s1_ref, dinv_ref, w_ref, out_ref):
    z = (s0_ref[...] + s1_ref[...]) * dinv_ref[...]
    out_ref[...] = lax.dot_general(
        z, w_ref[...], (((1,), (1,)), ((), ())),
        preferred_element_type=jnp.float32)


_final_call = pl.pallas_call(
    _final_body,
    grid=(NP // 1024,),
    in_specs=[
        pl.BlockSpec((1024, D), lambda i: (i, 0)),
        pl.BlockSpec((1024, D), lambda i: (i, 0)),
        pl.BlockSpec((1024, 1), lambda i: (i, 0)),
        pl.BlockSpec((D, D), lambda i: (0, 0)),
    ],
    out_specs=pl.BlockSpec((1024, D), lambda i: (i, 0)),
    out_shape=jax.ShapeDtypeStruct((NP, D), jnp.float32),
)


def kernel(x, edge_index, W):
    ei = edge_index.astype(jnp.int32)
    pad = (jnp.arange(EPAD - N_EDGES, dtype=jnp.int32) % (NP - N_NODES)
           ) + N_NODES
    rowp = jnp.concatenate([ei[0], pad])
    colp = jnp.concatenate([ei[1], pad])
    row_deg = rowp.reshape(NW, NCHD, CHD)
    row_agg = rowp.reshape(NW, NCHA, CHA)
    col_agg = colp.reshape(NW, EPWP)
    x_pad = jnp.pad(x, ((0, NP - N_NODES), (0, 0)))

    hist = _deg_kernel(row_deg)
    ybar, dinv = _scale_call(hist[0].reshape(NP, 1), hist[1].reshape(NP, 1),
                             x_pad)
    spart = _agg_kernel(ybar, col_agg, row_agg)
    outp = _final_call(spart[0], spart[1], dinv, W)
    return outp[:N_NODES]

# --- scband reference (transcript-rebuilt; emitter-appended) ---
"""Pipeline reference for scband-gcnlayer-47201690583744 (READ-ONLY COPY).

The authoritative reference and input builder live on the scoring server;
editing this copy changes nothing except your own understanding.
"""

import jax, jax.numpy as jnp
import numpy as np

N_NODES = 10000
N_EDGES = 320000
D_IN = 128
D_OUT = 128


def setup_inputs(seed: int = 0) -> dict:
    key = jax.random.key(seed)
    k1, k2, k3 = jax.random.split(key, 3)
    x = jax.random.normal(k1, (N_NODES, D_IN), dtype=jnp.float32)
    edge_index = jax.random.randint(k2, (2, N_EDGES), 0, N_NODES, dtype=jnp.int64)
    # nn.Linear(in_dim, out_dim, bias=False) weight has shape [out_dim, in_dim]
    W = jax.random.normal(k3, (D_OUT, D_IN), dtype=jnp.float32) * (1.0 / np.sqrt(D_IN))
    return {"x": x, "edge_index": edge_index, "W": W}


def reference(x, edge_index, W):
    N = x.shape[0]
    self_loops = jnp.arange(N, dtype=edge_index.dtype)
    ei = jnp.concatenate([edge_index, jnp.stack([self_loops, self_loops], axis=0)], axis=1)
    row, col = ei[0], ei[1]
    # normalize_adj
    deg = jnp.bincount(row, length=N).astype(jnp.float32)
    deg_inv_sqrt = jnp.where(deg > 0, jax.lax.rsqrt(jnp.maximum(deg, 1e-12)), 0.0)
    norm = deg_inv_sqrt[row] * deg_inv_sqrt[col]
    # linear (bias=False): x @ W.T
    xW = x @ W.T
    out = jnp.zeros_like(xW).at[row].add(norm[:, None] * xW[col])
    return out

if __name__ == "__main__":
    import jax
    _d = setup_inputs()
    print(jax.jit(kernel)(*tuple(_d.values())))

</pallas_src>

<mosaic_0001>
#map = affine_map<(d0, d1) -> (0, 0, 0)>
#map1 = affine_map<(d0, d1) -> (0, 0)>
module attributes {stable_mosaic.version = 14 : i64} {
  func.func @_deg_kernel(%arg0: i32, %arg1: i32, %arg2: memref<32x80x128xi32, #tpu.memory_space<hbm>>, %arg3: memref<2x10240xf32, #tpu.memory_space<hbm>>, %arg4: memref<80x128xi32, #tpu.memory_space<vmem>>, %arg5: memref<640xf32, #tpu.memory_space<vmem>>, %arg6: memref<128xf32, #tpu.memory_space<vmem>>, %arg7: memref<10240xf32, #tpu.memory_space<vmem_shared>>, %arg8: memref<2x!tpu.dma_semaphore, #tpu.memory_space<semaphore_mem>>) attributes {dimension_semantics = [#tpu.dimension_semantics<core_parallel>, #tpu.dimension_semantics<subcore_parallel>], iteration_bounds = array<i64: 2, 16>, scalar_prefetch = 0 : i64, scratch_operands = 5 : i64, tpu.core_type = #tpu.core_type<sc_vector_subcore>, window_params = [{transform_indices = #map}, {transform_indices = #map1}]} {
    %mul3A = arith.constant 2 : i32
    %mul3A_0 = arith.muli %arg1, %mul3A : i32
    %add3A = arith.addi %mul3A_0, %arg0 : i32
    %scan3A = arith.constant 0 : i32
    %scan3A_1 = arith.constant 40 : i32
    %scan3A_2 = arith.addi %scan3A, %scan3A_1 : i32
    %scan3A_3 = arith.constant 1 : i32
    scf.for %scan3A_56 = %scan3A to %scan3A_2 step %scan3A_3  : i32 {
      %mul3A_57 = arith.constant 1 : i32
      %mul3A_58 = arith.muli %scan3A_56, %mul3A_57 : i32
      %add3A_59 = arith.constant 0 : i32
      %add3A_60 = arith.addi %add3A_59, %mul3A_58 : i32
      %broadcast_in_dim3A = arith.constant 0.000000e+00 : f32
      %broadcast_in_dim3A_61 = vector.broadcast %broadcast_in_dim3A : f32 to vector<16xf32>
      %mul3A_62 = arith.constant 16 : i32
      %mul3A_63 = arith.muli %add3A_60, %mul3A_62 : i32
      %swap3A = arith.index_cast %mul3A_63 : i32 to index
      %swap3A_64 = tpu.vector_load %arg5[%swap3A] {strides = array<i32>} : memref<640xf32, #tpu.memory_space<vmem>>, vector<16xf32>,
      %swap3A_65 = vector.shape_cast %swap3A_64 : vector<16xf32> to vector<16xf32>
      %swap3A_66 = vector.shape_cast %broadcast_in_dim3A_61 : vector<16xf32> to vector<16xf32>
      tpu.vector_store %arg5[%swap3A], %swap3A_66 {strides = array<i32>} : memref<640xf32, #tpu.memory_space<vmem>>, vector<16xf32>,
    }
    %scan3A_4 = arith.constant 40 : i32
    %scan3A_5 = arith.constant 0 : i32
    %scan3A_6 = arith.constant 8 : i32
    %scan3A_7 = arith.addi %scan3A_5, %scan3A_6 : i32
    %scan3A_8 = arith.constant 1 : i32
    scf.for %scan3A_56 = %scan3A_5 to %scan3A_7 step %scan3A_8  : i32 {
      %mul3A_57 = arith.constant 1 : i32
      %mul3A_58 = arith.muli %scan3A_56, %mul3A_57 : i32
      %add3A_59 = arith.constant 0 : i32
      %add3A_60 = arith.addi %add3A_59, %mul3A_58 : i32
      %broadcast_in_dim3A = arith.constant 1.000000e+00 : f32
      %broadcast_in_dim3A_61 = vector.broadcast %broadcast_in_dim3A : f32 to vector<16xf32>
      %mul3A_62 = arith.constant 16 : i32
      %mul3A_63 = arith.muli %add3A_60, %mul3A_62 : i32
      %swap3A = arith.index_cast %mul3A_63 : i32 to index
      %swap3A_64 = tpu.vector_load %arg6[%swap3A] {strides = array<i32>} : memref<128xf32, #tpu.memory_space<vmem>>, vector<16xf32>,
      %swap3A_65 = vector.shape_cast %swap3A_64 : vector<16xf32> to vector<16xf32>
      %swap3A_66 = vector.shape_cast %broadcast_in_dim3A_61 : vector<16xf32> to vector<16xf32>
      tpu.vector_store %arg6[%swap3A], %swap3A_66 {strides = array<i32>} : memref<128xf32, #tpu.memory_space<vmem>>, vector<16xf32>,
    }
    %scan3A_9 = arith.constant 8 : i32
    %mul3A_10 = arith.constant 640 : i32
    %mul3A_11 = arith.muli %arg1, %mul3A_10 : i32
    "tpu.region"() ({
      %run_scoped3A = tpu.sem_alloc : memref<!tpu.dma_semaphore, #tpu.memory_space<semaphore_mem>>
      %dma_start3A_56 = tpu.memref_slice %arg7[%mul3A_11] : memref<10240xf32, #tpu.memory_space<vmem_shared>> -> memref<640xf32, #tpu.memory_space<vmem_shared>>
      %dma_start3A_57 = tpu.memref_slice %arg7[%mul3A_11] : memref<10240xf32, #tpu.memory_space<vmem_shared>> -> memref<640xf32, #tpu.memory_space<vmem_shared>>
      tpu.enqueue_dma source(%arg5 : memref<640xf32, #tpu.memory_space<vmem>>) target(%dma_start3A_57 : memref<640xf32, #tpu.memory_space<vmem_shared>>) target_semaphore(%run_scoped3A : memref<!tpu.dma_semaphore, #tpu.memory_space<semaphore_mem>>)
      %dma_wait3A_58 = tpu.memref_slice %arg7[%mul3A_11] : memref<10240xf32, #tpu.memory_space<vmem_shared>> -> memref<640xf32, #tpu.memory_space<vmem_shared>>
      %dma_wait3A_59 = tpu.memref_slice %arg7[%mul3A_11] : memref<10240xf32, #tpu.memory_space<vmem_shared>> -> memref<640xf32, #tpu.memory_space<vmem_shared>>
      tpu.wait_dma2 semaphore(%run_scoped3A : memref<!tpu.dma_semaphore, #tpu.memory_space<semaphore_mem>>) src(%arg5 : memref<640xf32, #tpu.memory_space<vmem>>) dst(%dma_wait3A_59 : memref<640xf32, #tpu.memory_space<vmem_shared>>)
      tpu.yield
    }) : () -> ()
    "tpu.region"() ({
      %run_scoped3A = tpu.sem_alloc : memref<!tpu.dma_semaphore, #tpu.memory_space<semaphore_mem>>
      %dma_start3A_56 = arith.constant 0 : i32
      %dma_start3A_57 = arith.constant 0 : i32
      %dma_start3A_58 = tpu.memref_slice %arg2[%add3A, %dma_start3A_56, %dma_start3A_57] : memref<32x80x128xi32, #tpu.memory_space<hbm>> -> memref<1x80x128xi32, #tpu.memory_space<hbm>>
      %dma_start3A_59 = tpu.memref_squeeze %dma_start3A_58 : memref<1x80x128xi32, #tpu.memory_space<hbm>> -> memref<80x128xi32, #tpu.memory_space<hbm>>
      %dma_start3A_60 = arith.constant 0 : i32
      %dma_start3A_61 = arith.constant 0 : i32
      %dma_start3A_62 = tpu.memref_slice %arg2[%add3A, %dma_start3A_60, %dma_start3A_61] : memref<32x80x128xi32, #tpu.memory_space<hbm>> -> memref<1x80x128xi32, #tpu.memory_space<hbm>>
      %dma_start3A_63 = tpu.memref_squeeze %dma_start3A_62 : memref<1x80x128xi32, #tpu.memory_space<hbm>> -> memref<80x128xi32, #tpu.memory_space<hbm>>
      tpu.enqueue_dma source(%dma_start3A_63 : memref<80x128xi32, #tpu.memory_space<hbm>>) target(%arg4 : memref<80x128xi32, #tpu.memory_space<vmem>>) target_semaphore(%run_scoped3A : memref<!tpu.dma_semaphore, #tpu.memory_space<semaphore_mem>>)
      %dma_wait3A_64 = arith.constant 0 : i32
      %dma_wait3A_65 = arith.constant 0 : i32
      %dma_wait3A_66 = tpu.memref_slice %arg2[%add3A, %dma_wait3A_64, %dma_wait3A_65] : memref<32x80x128xi32, #tpu.memory_space<hbm>> -> memref<1x80x128xi32, #tpu.memory_space<hbm>>
      %dma_wait3A_67 = tpu.memref_squeeze %dma_wait3A_66 : memref<1x80x128xi32, #tpu.memory_space<hbm>> -> memref<80x128xi32, #tpu.memory_space<hbm>>
      %dma_wait3A_68 = arith.constant 0 : i32
      %dma_wait3A_69 = arith.constant 0 : i32
      %dma_wait3A_70 = tpu.memref_slice %arg2[%add3A, %dma_wait3A_68, %dma_wait3A_69] : memref<32x80x128xi32, #tpu.memory_space<hbm>> -> memref<1x80x128xi32, #tpu.memory_space<hbm>>
      %dma_wait3A_71 = tpu.memref_squeeze %dma_wait3A_70 : memref<1x80x128xi32, #tpu.memory_space<hbm>> -> memref<80x128xi32, #tpu.memory_space<hbm>>
      tpu.wait_dma2 semaphore(%run_scoped3A : memref<!tpu.dma_semaphore, #tpu.memory_space<semaphore_mem>>) src(%dma_wait3A_71 : memref<80x128xi32, #tpu.memory_space<hbm>>) dst(%arg4 : memref<80x128xi32, #tpu.memory_space<vmem>>)
      tpu.yield
    }) : () -> ()
    %barrier3A = arith.constant 0 : index
    tpu.barrier barrier_id(%barrier3A)
    %dma_start3A = arith.constant 0 : i32
    %dma_start3A_12 = arith.constant 0 : i32
    %dma_start3A_13 = arith.constant 0 : i32
    %dma_start3A_14 = tpu.memref_slice %arg4[%dma_start3A, %dma_start3A_13] : memref<80x128xi32, #tpu.memory_space<vmem>> -> memref<1x128xi32, #tpu.memory_space<vmem>>
    %dma_start3A_15 = tpu.memref_squeeze %dma_start3A_14 : memref<1x128xi32, #tpu.memory_space<vmem>> -> memref<128xi32, #tpu.memory_space<vmem>>
    %dma_start3A_16 = arith.constant 0 : i32
    %dma_start3A_17 = tpu.memref_slice %arg7[%dma_start3A_16] : memref<10240xf32, #tpu.memory_space<vmem_shared>> -> memref<10240xf32, #tpu.memory_space<vmem_shared>>
    %dma_start3A_18 = tpu.memref_slice %arg8[%dma_start3A_12] : memref<2x!tpu.dma_semaphore, #tpu.memory_space<semaphore_mem>> -> memref<1x!tpu.dma_semaphore, #tpu.memory_space<semaphore_mem>>
    %dma_start3A_19 = tpu.memref_squeeze %dma_start3A_18 : memref<1x!tpu.dma_semaphore, #tpu.memory_space<semaphore_mem>> -> memref<!tpu.dma_semaphore, #tpu.memory_space<semaphore_mem>>
    tpu.enqueue_indirect_dma source(%arg6 : memref<128xf32, #tpu.memory_space<vmem>>) target(%dma_start3A_17 : memref<10240xf32, #tpu.memory_space<vmem_shared>>) offsets(%dma_start3A_15 : memref<128xi32, #tpu.memory_space<vmem>>) semaphore(%dma_start3A_19 : memref<!tpu.dma_semaphore, #tpu.memory_space<semaphore_mem>>) {add = true}
    %dma_start3A_20 = arith.constant 1 : i32
    %dma_start3A_21 = arith.constant 1 : i32
    %dma_start3A_22 = arith.constant 0 : i32
    %dma_start3A_23 = tpu.memref_slice %arg4[%dma_start3A_20, %dma_start3A_22] : memref<80x128xi32, #tpu.memory_space<vmem>> -> memref<1x128xi32, #tpu.memory_space<vmem>>
    %dma_start3A_24 = tpu.memref_squeeze %dma_start3A_23 : memref<1x128xi32, #tpu.memory_space<vmem>> -> memref<128xi32, #tpu.memory_space<vmem>>
    %dma_start3A_25 = arith.constant 0 : i32
    %dma_start3A_26 = tpu.memref_slice %arg7[%dma_start3A_25] : memref<10240xf32, #tpu.memory_space<vmem_shared>> -> memref<10240xf32, #tpu.memory_space<vmem_shared>>
    %dma_start3A_27 = tpu.memref_slice %arg8[%dma_start3A_21] : memref<2x!tpu.dma_semaphore, #tpu.memory_space<semaphore_mem>> -> memref<1x!tpu.dma_semaphore, #tpu.memory_space<semaphore_mem>>
    %dma_start3A_28 = tpu.memref_squeeze %dma_start3A_27 : memref<1x!tpu.dma_semaphore, #tpu.memory_space<semaphore_mem>> -> memref<!tpu.dma_semaphore, #tpu.memory_space<semaphore_mem>>
    tpu.enqueue_indirect_dma source(%arg6 : memref<128xf32, #tpu.memory_space<vmem>>) target(%dma_start3A_26 : memref<10240xf32, #tpu.memory_space<vmem_shared>>) offsets(%dma_start3A_24 : memref<128xi32, #tpu.memory_space<vmem>>) semaphore(%dma_start3A_28 : memref<!tpu.dma_semaphore, #tpu.memory_space<semaphore_mem>>) {add = true}
    %scan3A_29 = arith.constant 0 : i32
    %scan3A_30 = arith.constant 39 : i32
    %scan3A_31 = arith.addi %scan3A_29, %scan3A_30 : i32
    %scan3A_32 = arith.constant 1 : i32
    scf.for %scan3A_56 = %scan3A_29 to %scan3A_31 step %scan3A_32  : i32 {
      %mul3A_57 = arith.constant 1 : i32
      %mul3A_58 = arith.muli %scan3A_56, %mul3A_57 : i32
      %add3A_59 = arith.constant 1 : i32
      %add3A_60 = arith.addi %add3A_59, %mul3A_58 : i32
      %mul3A_61 = arith.constant 2 : i32
      %mul3A_62 = arith.muli %add3A_60, %mul3A_61 : i32
      %add3A_63 = arith.constant 0 : i32
      %add3A_64 = arith.addi %mul3A_62, %add3A_63 : i32
      %sub3A = arith.constant 2 : i32
      %sub3A_65 = arith.subi %add3A_64, %sub3A : i32
      %dma_wait3A_66 = arith.constant 0 : i32
      %dma_wait3A_67 = arith.constant 0 : i32
      %dma_wait3A_68 = tpu.memref_slice %arg4[%sub3A_65, %dma_wait3A_67] : memref<80x128xi32, #tpu.memory_space<vmem>> -> memref<1x128xi32, #tpu.memory_space<vmem>>
      %dma_wait3A_69 = tpu.memref_squeeze %dma_wait3A_68 : memref<1x128xi32, #tpu.memory_space<vmem>> -> memref<128xi32, #tpu.memory_space<vmem>>
      %dma_wait3A_70 = arith.constant 0 : i32
      %dma_wait3A_71 = tpu.memref_slice %arg7[%dma_wait3A_70] : memref<10240xf32, #tpu.memory_space<vmem_shared>> -> memref<10240xf32, #tpu.memory_space<vmem_shared>>
      %dma_wait3A_72 = tpu.memref_slice %arg8[%dma_wait3A_66] : memref<2x!tpu.dma_semaphore, #tpu.memory_space<semaphore_mem>> -> memref<1x!tpu.dma_semaphore, #tpu.memory_space<semaphore_mem>>
      %dma_wait3A_73 = tpu.memref_squeeze %dma_wait3A_72 : memref<1x!tpu.dma_semaphore, #tpu.memory_space<semaphore_mem>> -> memref<!tpu.dma_semaphore, #tpu.memory_space<semaphore_mem>>
      tpu.wait_indirect_dma semaphore(%dma_wait3A_73 : memref<!tpu.dma_semaphore, #tpu.memory_space<semaphore_mem>>) src(%arg6 : memref<128xf32, #tpu.memory_space<vmem>>) dst(%dma_wait3A_71 : memref<10240xf32, #tpu.memory_space<vmem_shared>>)
      %dma_start3A_74 = arith.constant 0 : i32
      %dma_start3A_75 = arith.constant 0 : i32
      %dma_start3A_76 = tpu.memref_slice %arg4[%add3A_64, %dma_start3A_75] : memref<80x128xi32, #tpu.memory_space<vmem>> -> memref<1x128xi32, #tpu.memory_space<vmem>>
      %dma_start3A_77 = tpu.memref_squeeze %dma_start3A_76 : memref<1x128xi32, #tpu.memory_space<vmem>> -> memref<128xi32, #tpu.memory_space<vmem>>
      %dma_start3A_78 = arith.constant 0 : i32
      %dma_start3A_79 = tpu.memref_slice %arg7[%dma_start3A_78] : memref<10240xf32, #tpu.memory_space<vmem_shared>> -> memref<10240xf32, #tpu.memory_space<vmem_shared>>
      %dma_start3A_80 = tpu.memref_slice %arg8[%dma_start3A_74] : memref<2x!tpu.dma_semaphore, #tpu.memory_space<semaphore_mem>> -> memref<1x!tpu.dma_semaphore, #tpu.memory_space<semaphore_mem>>
      %dma_start3A_81 = tpu.memref_squeeze %dma_start3A_80 : memref<1x!tpu.dma_semaphore, #tpu.memory_space<semaphore_mem>> -> memref<!tpu.dma_semaphore, #tpu.memory_space<semaphore_mem>>
      tpu.enqueue_indirect_dma source(%arg6 : memref<128xf32, #tpu.memory_space<vmem>>) target(%dma_start3A_79 : memref<10240xf32, #tpu.memory_space<vmem_shared>>) offsets(%dma_start3A_77 : memref<128xi32, #tpu.memory_space<vmem>>) semaphore(%dma_start3A_81 : memref<!tpu.dma_semaphore, #tpu.memory_space<semaphore_mem>>) {add = true}
      %mul3A_82 = arith.constant 2 : i32
      %mul3A_83 = arith.muli %add3A_60, %mul3A_82 : i32
      %add3A_84 = arith.constant 1 : i32
      %add3A_85 = arith.addi %mul3A_83, %add3A_84 : i32
      %sub3A_86 = arith.constant 2 : i32
      %sub3A_87 = arith.subi %add3A_85, %sub3A_86 : i32
      %dma_wait3A_88 = arith.constant 1 : i32
      %dma_wait3A_89 = arith.constant 0 : i32
      %dma_wait3A_90 = tpu.memref_slice %arg4[%sub3A_87, %dma_wait3A_89] : memref<80x128xi32, #tpu.memory_space<vmem>> -> memref<1x128xi32, #tpu.memory_space<vmem>>
      %dma_wait3A_91 = tpu.memref_squeeze %dma_wait3A_90 : memref<1x128xi32, #tpu.memory_space<vmem>> -> memref<128xi32, #tpu.memory_space<vmem>>
      %dma_wait3A_92 = arith.constant 0 : i32
      %dma_wait3A_93 = tpu.memref_slice %arg7[%dma_wait3A_92] : memref<10240xf32, #tpu.memory_space<vmem_shared>> -> memref<10240xf32, #tpu.memory_space<vmem_shared>>
      %dma_wait3A_94 = tpu.memref_slice %arg8[%dma_wait3A_88] : memref<2x!tpu.dma_semaphore, #tpu.memory_space<semaphore_mem>> -> memref<1x!tpu.dma_semaphore, #tpu.memory_space<semaphore_mem>>
      %dma_wait3A_95 = tpu.memref_squeeze %dma_wait3A_94 : memref<1x!tpu.dma_semaphore, #tpu.memory_space<semaphore_mem>> -> memref<!tpu.dma_semaphore, #tpu.memory_space<semaphore_mem>>
      tpu.wait_indirect_dma semaphore(%dma_wait3A_95 : memref<!tpu.dma_semaphore, #tpu.memory_space<semaphore_mem>>) src(%arg6 : memref<128xf32, #tpu.memory_space<vmem>>) dst(%dma_wait3A_93 : memref<10240xf32, #tpu.memory_space<vmem_shared>>)
      %dma_start3A_96 = arith.constant 1 : i32
      %dma_start3A_97 = arith.constant 0 : i32
      %dma_start3A_98 = tpu.memref_slice %arg4[%add3A_85, %dma_start3A_97] : memref<80x128xi32, #tpu.memory_space<vmem>> -> memref<1x128xi32, #tpu.memory_space<vmem>>
      %dma_start3A_99 = tpu.memref_squeeze %dma_start3A_98 : memref<1x128xi32, #tpu.memory_space<vmem>> -> memref<128xi32, #tpu.memory_space<vmem>>
      %dma_start3A_100 = arith.constant 0 : i32
      %dma_start3A_101 = tpu.memref_slice %arg7[%dma_start3A_100] : memref<10240xf32, #tpu.memory_space<vmem_shared>> -> memref<10240xf32, #tpu.memory_space<vmem_shared>>
      %dma_start3A_102 = tpu.memref_slice %arg8[%dma_start3A_96] : memref<2x!tpu.dma_semaphore, #tpu.memory_space<semaphore_mem>> -> memref<1x!tpu.dma_semaphore, #tpu.memory_space<semaphore_mem>>
      %dma_start3A_103 = tpu.memref_squeeze %dma_start3A_102 : memref<1x!tpu.dma_semaphore, #tpu.memory_space<semaphore_mem>> -> memref<!tpu.dma_semaphore, #tpu.memory_space<semaphore_mem>>
      tpu.enqueue_indirect_dma source(%arg6 : memref<128xf32, #tpu.memory_space<vmem>>) target(%dma_start3A_101 : memref<10240xf32, #tpu.memory_space<vmem_shared>>) offsets(%dma_start3A_99 : memref<128xi32, #tpu.memory_space<vmem>>) semaphore(%dma_start3A_103 : memref<!tpu.dma_semaphore, #tpu.memory_space<semaphore_mem>>) {add = true}
    }
    %scan3A_33 = arith.constant 39 : i32
    %dma_wait3A = arith.constant 78 : i32
    %dma_wait3A_34 = arith.constant 0 : i32
    %dma_wait3A_35 = arith.constant 0 : i32
    %dma_wait3A_36 = tpu.memref_slice %arg4[%dma_wait3A, %dma_wait3A_35] : memref<80x128xi32, #tpu.memory_space<vmem>> -> memref<1x128xi32, #tpu.memory_space<vmem>>
    %dma_wait3A_37 = tpu.memref_squeeze %dma_wait3A_36 : memref<1x128xi32, #tpu.memory_space<vmem>> -> memref<128xi32, #tpu.memory_space<vmem>>
    %dma_wait3A_38 = arith.constant 0 : i32
    %dma_wait3A_39 = tpu.memref_slice %arg7[%dma_wait3A_38] : memref<10240xf32, #tpu.memory_space<vmem_shared>> -> memref<10240xf32, #tpu.memory_space<vmem_shared>>
    %dma_wait3A_40 = tpu.memref_slice %arg8[%dma_wait3A_34] : memref<2x!tpu.dma_semaphore, #tpu.memory_space<semaphore_mem>> -> memref<1x!tpu.dma_semaphore, #tpu.memory_space<semaphore_mem>>
    %dma_wait3A_41 = tpu.memref_squeeze %dma_wait3A_40 : memref<1x!tpu.dma_semaphore, #tpu.memory_space<semaphore_mem>> -> memref<!tpu.dma_semaphore, #tpu.memory_space<semaphore_mem>>
    tpu.wait_indirect_dma semaphore(%dma_wait3A_41 : memref<!tpu.dma_semaphore, #tpu.memory_space<semaphore_mem>>) src(%arg6 : memref<128xf32, #tpu.memory_space<vmem>>) dst(%dma_wait3A_39 : memref<10240xf32, #tpu.memory_space<vmem_shared>>)
    %dma_wait3A_42 = arith.constant 79 : i32
    %dma_wait3A_43 = arith.constant 1 : i32
    %dma_wait3A_44 = arith.constant 0 : i32
    %dma_wait3A_45 = tpu.memref_slice %arg4[%dma_wait3A_42, %dma_wait3A_44] : memref<80x128xi32, #tpu.memory_space<vmem>> -> memref<1x128xi32, #tpu.memory_space<vmem>>
    %dma_wait3A_46 = tpu.memref_squeeze %dma_wait3A_45 : memref<1x128xi32, #tpu.memory_space<vmem>> -> memref<128xi32, #tpu.memory_space<vmem>>
    %dma_wait3A_47 = arith.constant 0 : i32
    %dma_wait3A_48 = tpu.memref_slice %arg7[%dma_wait3A_47] : memref<10240xf32, #tpu.memory_space<vmem_shared>> -> memref<10240xf32, #tpu.memory_space<vmem_shared>>
    %dma_wait3A_49 = tpu.memref_slice %arg8[%dma_wait3A_43] : memref<2x!tpu.dma_semaphore, #tpu.memory_space<semaphore_mem>> -> memref<1x!tpu.dma_semaphore, #tpu.memory_space<semaphore_mem>>
    %dma_wait3A_50 = tpu.memref_squeeze %dma_wait3A_49 : memref<1x!tpu.dma_semaphore, #tpu.memory_space<semaphore_mem>> -> memref<!tpu.dma_semaphore, #tpu.memory_space<semaphore_mem>>
    tpu.wait_indirect_dma semaphore(%dma_wait3A_50 : memref<!tpu.dma_semaphore, #tpu.memory_space<semaphore_mem>>) src(%arg6 : memref<128xf32, #tpu.memory_space<vmem>>) dst(%dma_wait3A_48 : memref<10240xf32, #tpu.memory_space<vmem_shared>>)
    %barrier3A_51 = arith.constant 0 : index
    tpu.barrier barrier_id(%barrier3A_51)
    %mul3A_52 = arith.constant 640 : i32
    %mul3A_53 = arith.muli %arg1, %mul3A_52 : i32
    %mul3A_54 = arith.constant 640 : i32
    %mul3A_55 = arith.muli %arg1, %mul3A_54 : i32
    "tpu.region"() ({
      %run_scoped3A = tpu.sem_alloc : memref<!tpu.dma_semaphore, #tpu.memory_space<semaphore_mem>>
      %dma_start3A_56 = tpu.memref_slice %arg3[%arg0, %mul3A_55] : memref<2x10240xf32, #tpu.memory_space<hbm>> -> memref<1x640xf32, #tpu.memory_space<hbm>>
      %dma_start3A_57 = tpu.memref_squeeze %dma_start3A_56 : memref<1x640xf32, #tpu.memory_space<hbm>> -> memref<640xf32, #tpu.memory_space<hbm>>
      %dma_start3A_58 = tpu.memref_slice %arg7[%mul3A_53] : memref<10240xf32, #tpu.memory_space<vmem_shared>> -> memref<640xf32, #tpu.memory_space<vmem_shared>>
      tpu.enqueue_dma source(%dma_start3A_58 : memref<640xf32, #tpu.memory_space<vmem_shared>>) target(%dma_start3A_57 : memref<640xf32, #tpu.memory_space<hbm>>) target_semaphore(%run_scoped3A : memref<!tpu.dma_semaphore, #tpu.memory_space<semaphore_mem>>)
      %dma_wait3A_59 = tpu.memref_slice %arg3[%arg0, %mul3A_55] : memref<2x10240xf32, #tpu.memory_space<hbm>> -> memref<1x640xf32, #tpu.memory_space<hbm>>
      %dma_wait3A_60 = tpu.memref_squeeze %dma_wait3A_59 : memref<1x640xf32, #tpu.memory_space<hbm>> -> memref<640xf32, #tpu.memory_space<hbm>>
      %dma_wait3A_61 = tpu.memref_slice %arg7[%mul3A_53] : memref<10240xf32, #tpu.memory_space<vmem_shared>> -> memref<640xf32, #tpu.memory_space<vmem_shared>>
      tpu.wait_dma2 semaphore(%run_scoped3A : memref<!tpu.dma_semaphore, #tpu.memory_space<semaphore_mem>>) src(%dma_wait3A_61 : memref<640xf32, #tpu.memory_space<vmem_shared>>) dst(%dma_wait3A_60 : memref<640xf32, #tpu.memory_space<hbm>>)
      tpu.yield
    }) : () -> ()
    return
  }
}

#map = affine_map<(d0, d1) -> (0, 0)>
#map1 = affine_map<(d0, d1) -> (0, 0, 0)>
module attributes {stable_mosaic.version = 14 : i64} {
  func.func @_agg_kernel(%arg0: i32, %arg1: i32, %arg2: memref<10240x128xf32, #tpu.memory_space<hbm>>, %arg3: memref<32x10240xi32, #tpu.memory_space<hbm>>, %arg4: memref<32x128x80xi32, #tpu.memory_space<hbm>>, %arg5: memref<2x10240x128xf32, #tpu.memory_space<hbm>>, %arg6: memref<10240xi32, #tpu.memory_space<vmem>>, %arg7: memref<128x80xi32, #tpu.memory_space<vmem>>, %arg8: memref<2x80x128xf32, #tpu.memory_space<vmem>>, %arg9: memref<10240x128xf32, #tpu.memory_space<vmem_shared>>, %arg10: memref<2x!tpu.dma_semaphore, #tpu.memory_space<semaphore_mem>>, %arg11: memref<2x!tpu.dma_semaphore, #tpu.memory_space<semaphore_mem>>) attributes {dimension_semantics = [#tpu.dimension_semantics<core_parallel>, #tpu.dimension_semantics<subcore_parallel>], iteration_bounds = array<i64: 2, 16>, scalar_prefetch = 0 : i64, scratch_operands = 6 : i64, tpu.core_type = #tpu.core_type<sc_vector_subcore>, window_params = [{transform_indices = #map}, {transform_indices = #map}, {transform_indices = #map1}, {transform_indices = #map1}]} {
    %mul3A = arith.constant 2 : i32
    %mul3A_0 = arith.muli %arg1, %mul3A : i32
    %add3A = arith.addi %mul3A_0, %arg0 : i32
    %eq3A = arith.constant 0 : i32
    %eq3A_1 = arith.cmpi eq, %arg0, %eq3A : i32
    %convert_element_type3A = arith.extui %eq3A_1 : i1 to i32
    %cond3A = arith.constant 0 : i32
    %cond3A_2 = arith.cmpi ne, %convert_element_type3A, %cond3A : i32
    scf.if %cond3A_2 {
      %mul3A_126 = arith.constant 640 : i32
      %mul3A_127 = arith.muli %arg1, %mul3A_126 : i32
      %mul3A_128 = arith.constant 640 : i32
      %mul3A_129 = arith.muli %arg1, %mul3A_128 : i32
      "tpu.region"() ({
        %run_scoped3A = tpu.sem_alloc : memref<!tpu.dma_semaphore, #tpu.memory_space<semaphore_mem>>
        %dma_start3A_130 = arith.constant 0 : i32
        %dma_start3A_131 = tpu.memref_slice %arg9[%mul3A_129, %dma_start3A_130] : memref<10240x128xf32, #tpu.memory_space<vmem_shared>> -> memref<640x128xf32, #tpu.memory_space<vmem_shared>>
        %dma_start3A_132 = arith.constant 0 : i32
        %dma_start3A_133 = tpu.memref_slice %arg2[%mul3A_127, %dma_start3A_132] : memref<10240x128xf32, #tpu.memory_space<hbm>> -> memref<640x128xf32, #tpu.memory_space<hbm>>
        tpu.enqueue_dma source(%dma_start3A_133 : memref<640x128xf32, #tpu.memory_space<hbm>>) target(%dma_start3A_131 : memref<640x128xf32, #tpu.memory_space<vmem_shared>>) target_semaphore(%run_scoped3A : memref<!tpu.dma_semaphore, #tpu.memory_space<semaphore_mem>>)
        %dma_wait3A_134 = arith.constant 0 : i32
        %dma_wait3A_135 = tpu.memref_slice %arg9[%mul3A_129, %dma_wait3A_134] : memref<10240x128xf32, #tpu.memory_space<vmem_shared>> -> memref<640x128xf32, #tpu.memory_space<vmem_shared>>
        %dma_wait3A_136 = arith.constant 0 : i32
        %dma_wait3A_137 = tpu.memref_slice %arg2[%mul3A_127, %dma_wait3A_136] : memref<10240x128xf32, #tpu.memory_space<hbm>> -> memref<640x128xf32, #tpu.memory_space<hbm>>
        tpu.wait_dma2 semaphore(%run_scoped3A : memref<!tpu.dma_semaphore, #tpu.memory_space<semaphore_mem>>) src(%dma_wait3A_137 : memref<640x128xf32, #tpu.memory_space<hbm>>) dst(%dma_wait3A_135 : memref<640x128xf32, #tpu.memory_space<vmem_shared>>)
        tpu.yield
      }) : () -> ()
    } else {
    }
    %ne3A = arith.constant 0 : i32
    %ne3A_3 = arith.cmpi ne, %arg0, %ne3A : i32
    %convert_element_type3A_4 = arith.extui %ne3A_3 : i1 to i32
    %cond3A_5 = arith.constant 0 : i32
    %cond3A_6 = arith.cmpi ne, %convert_element_type3A_4, %cond3A_5 : i32
    scf.if %cond3A_6 {
      %scan3A_126 = arith.constant 0 : i32
      %scan3A_127 = arith.constant 640 : i32
      %scan3A_128 = arith.addi %scan3A_126, %scan3A_127 : i32
      %scan3A_129 = arith.constant 1 : i32
      scf.for %scan3A_136 = %scan3A_126 to %scan3A_128 step %scan3A_129  : i32 {
        %mul3A_137 = arith.constant 1 : i32
        %mul3A_138 = arith.muli %scan3A_136, %mul3A_137 : i32
        %add3A_139 = arith.constant 0 : i32
        %add3A_140 = arith.addi %add3A_139, %mul3A_138 : i32
        %broadcast_in_dim3A = arith.constant 0.000000e+00 : f32
        %broadcast_in_dim3A_141 = vector.broadcast %broadcast_in_dim3A : f32 to vector<16xf32>
        %jit3A = arith.constant 8 : i32
        %div3A = arith.divsi %add3A_140, %jit3A : i32
        %sign3A = arith.constant 0 : i32
        %sign3A_142 = arith.cmpi sgt, %add3A_140, %sign3A : i32
        %sign3A_143 = arith.extui %sign3A_142 : i1 to i32
        %sign3A_144 = arith.constant 0 : i32
        %sign3A_145 = arith.cmpi slt, %add3A_140, %sign3A_144 : i32
        %sign3A_146 = arith.extui %sign3A_145 : i1 to i32
        %sign3A_147 = arith.subi %sign3A_143, %sign3A_146 : i32
        %sign3A_148 = arith.constant 0 : i32
        %sign3A_149 = arith.cmpi sgt, %jit3A, %sign3A_148 : i32
        %sign3A_150 = arith.extui %sign3A_149 : i1 to i32
        %sign3A_151 = arith.constant 0 : i32
        %sign3A_152 = arith.cmpi slt, %jit3A, %sign3A_151 : i32
        %sign3A_153 = arith.extui %sign3A_152 : i1 to i32
        %sign3A_154 = arith.subi %sign3A_150, %sign3A_153 : i32
        %ne3A_155 = arith.cmpi ne, %sign3A_147, %sign3A_154 : i32
        %rem3A = arith.remsi %add3A_140, %jit3A : i32
        %ne3A_156 = arith.constant 0 : i32
        %ne3A_157 = arith.cmpi ne, %rem3A, %ne3A_156 : i32
        %and3A = arith.andi %ne3A_155, %ne3A_157 : i1
        %sub3A = arith.constant 1 : i32
        %sub3A_158 = arith.subi %div3A, %sub3A : i32
        %select_n3A = arith.select %and3A, %sub3A_158, %div3A : i32
        %jit3A_159 = arith.constant 8 : i32
        %eq3A_160 = arith.constant 0 : i32
        %eq3A_161 = arith.cmpi eq, %jit3A_159, %eq3A_160 : i32
        %jit3A_162 = arith.constant 1 : i32
        %select_n3A_163 = arith.select %eq3A_161, %jit3A_162, %jit3A_159 : i32
        %rem3A_164 = arith.remsi %add3A_140, %select_n3A_163 : i32
        %ne3A_165 = arith.constant 0 : i32
        %ne3A_166 = arith.cmpi ne, %rem3A_164, %ne3A_165 : i32
        %lt3A = arith.constant 0 : i32
        %lt3A_167 = arith.cmpi slt, %rem3A_164, %lt3A : i32
        %lt3A_168 = arith.constant 0 : i32
        %lt3A_169 = arith.cmpi slt, %select_n3A_163, %lt3A_168 : i32
        %ne3A_170 = arith.xori %lt3A_167, %lt3A_169 : i1
        %and3A_171 = arith.andi %ne3A_170, %ne3A_166 : i1
        %add3A_172 = arith.addi %rem3A_164, %select_n3A_163 : i32
        %select_n3A_173 = arith.select %and3A_171, %add3A_172, %rem3A_164 : i32
        %mul3A_174 = arith.constant 16 : i32
        %mul3A_175 = arith.muli %select_n3A_173, %mul3A_174 : i32
        %swap3A = arith.constant 0 : i32
        %swap3A_176 = arith.index_cast %swap3A : i32 to index
        %swap3A_177 = arith.index_cast %select_n3A : i32 to index
        %swap3A_178 = arith.index_cast %mul3A_175 : i32 to index
        %swap3A_179 = tpu.vector_load %arg8[%swap3A_176, %swap3A_177, %swap3A_178] {strides = array<i32>} : memref<2x80x128xf32, #tpu.memory_space<vmem>>, vector<1x1x16xf32>,
        %swap3A_180 = vector.shape_cast %swap3A_179 : vector<1x1x16xf32> to vector<16xf32>
        %swap3A_181 = vector.shape_cast %broadcast_in_dim3A_141 : vector<16xf32> to vector<1x1x16xf32>
        tpu.vector_store %arg8[%swap3A_176, %swap3A_177, %swap3A_178], %swap3A_181 {strides = array<i32>} : memref<2x80x128xf32, #tpu.memory_space<vmem>>, vector<1x1x16xf32>,
      }
      %scan3A_130 = arith.constant 640 : i32
      %scan3A_131 = arith.constant 0 : i32
      %scan3A_132 = arith.constant 8 : i32
      %scan3A_133 = arith.addi %scan3A_131, %scan3A_132 : i32
      %scan3A_134 = arith.constant 1 : i32
      scf.for %scan3A_136 = %scan3A_131 to %scan3A_133 step %scan3A_134  : i32 {
        %mul3A_137 = arith.constant 1 : i32
        %mul3A_138 = arith.muli %scan3A_136, %mul3A_137 : i32
        %add3A_139 = arith.constant 0 : i32
        %add3A_140 = arith.addi %add3A_139, %mul3A_138 : i32
        %mul3A_141 = arith.constant 640 : i32
        %mul3A_142 = arith.muli %arg1, %mul3A_141 : i32
        %mul3A_143 = arith.constant 80 : i32
        %mul3A_144 = arith.muli %add3A_140, %mul3A_143 : i32
        %add3A_145 = arith.addi %mul3A_142, %mul3A_144 : i32
        %run_scoped3A = arith.constant 0 : i32
        "tpu.region"() ({
          %run_scoped3A_146 = tpu.sem_alloc : memref<!tpu.dma_semaphore, #tpu.memory_space<semaphore_mem>>
          %dma_start3A_147 = arith.constant 0 : i32
          %dma_start3A_148 = arith.constant 0 : i32
          %dma_start3A_149 = tpu.memref_slice %arg8[%run_scoped3A, %dma_start3A_147, %dma_start3A_148] : memref<2x80x128xf32, #tpu.memory_space<vmem>> -> memref<1x80x128xf32, #tpu.memory_space<vmem>>
          %dma_start3A_150 = tpu.memref_squeeze %dma_start3A_149 : memref<1x80x128xf32, #tpu.memory_space<vmem>> -> memref<80x128xf32, #tpu.memory_space<vmem>>
          %dma_start3A_151 = arith.constant 0 : i32
          %dma_start3A_152 = tpu.memref_slice %arg9[%add3A_145, %dma_start3A_151] : memref<10240x128xf32, #tpu.memory_space<vmem_shared>> -> memref<80x128xf32, #tpu.memory_space<vmem_shared>>
          %dma_start3A_153 = arith.constant 0 : i32
          %dma_start3A_154 = tpu.memref_slice %arg9[%add3A_145, %dma_start3A_153] : memref<10240x128xf32, #tpu.memory_space<vmem_shared>> -> memref<80x128xf32, #tpu.memory_space<vmem_shared>>
          %dma_start3A_155 = arith.constant 0 : i32
          %dma_start3A_156 = arith.constant 0 : i32
          %dma_start3A_157 = tpu.memref_slice %arg8[%run_scoped3A, %dma_start3A_155, %dma_start3A_156] : memref<2x80x128xf32, #tpu.memory_space<vmem>> -> memref<1x80x128xf32, #tpu.memory_space<vmem>>
          %dma_start3A_158 = tpu.memref_squeeze %dma_start3A_157 : memref<1x80x128xf32, #tpu.memory_space<vmem>> -> memref<80x128xf32, #tpu.memory_space<vmem>>
          tpu.enqueue_dma source(%dma_start3A_158 : memref<80x128xf32, #tpu.memory_space<vmem>>) target(%dma_start3A_154 : memref<80x128xf32, #tpu.memory_space<vmem_shared>>) target_semaphore(%run_scoped3A_146 : memref<!tpu.dma_semaphore, #tpu.memory_space<semaphore_mem>>)
          %dma_wait3A_159 = arith.constant 0 : i32
          %dma_wait3A_160 = arith.constant 0 : i32
          %dma_wait3A_161 = tpu.memref_slice %arg8[%run_scoped3A, %dma_wait3A_159, %dma_wait3A_160] : memref<2x80x128xf32, #tpu.memory_space<vmem>> -> memref<1x80x128xf32, #tpu.memory_space<vmem>>
          %dma_wait3A_162 = tpu.memref_squeeze %dma_wait3A_161 : memref<1x80x128xf32, #tpu.memory_space<vmem>> -> memref<80x128xf32, #tpu.memory_space<vmem>>
          %dma_wait3A_163 = arith.constant 0 : i32
          %dma_wait3A_164 = tpu.memref_slice %arg9[%add3A_145, %dma_wait3A_163] : memref<10240x128xf32, #tpu.memory_space<vmem_shared>> -> memref<80x128xf32, #tpu.memory_space<vmem_shared>>
          %dma_wait3A_165 = arith.constant 0 : i32
          %dma_wait3A_166 = tpu.memref_slice %arg9[%add3A_145, %dma_wait3A_165] : memref<10240x128xf32, #tpu.memory_space<vmem_shared>> -> memref<80x128xf32, #tpu.memory_space<vmem_shared>>
          %dma_wait3A_167 = arith.constant 0 : i32
          %dma_wait3A_168 = arith.constant 0 : i32
          %dma_wait3A_169 = tpu.memref_slice %arg8[%run_scoped3A, %dma_wait3A_167, %dma_wait3A_168] : memref<2x80x128xf32, #tpu.memory_space<vmem>> -> memref<1x80x128xf32, #tpu.memory_space<vmem>>
          %dma_wait3A_170 = tpu.memref_squeeze %dma_wait3A_169 : memref<1x80x128xf32, #tpu.memory_space<vmem>> -> memref<80x128xf32, #tpu.memory_space<vmem>>
          tpu.wait_dma2 semaphore(%run_scoped3A_146 : memref<!tpu.dma_semaphore, #tpu.memory_space<semaphore_mem>>) src(%dma_wait3A_170 : memref<80x128xf32, #tpu.memory_space<vmem>>) dst(%dma_wait3A_166 : memref<80x128xf32, #tpu.memory_space<vmem_shared>>)
          tpu.yield
        }) : () -> ()
      }
      %scan3A_135 = arith.constant 8 : i32
    } else {
    }
    "tpu.region"() ({
      %run_scoped3A = tpu.sem_alloc : memref<!tpu.dma_semaphore, #tpu.memory_space<semaphore_mem>>
      %dma_start3A_126 = arith.constant 0 : i32
      %dma_start3A_127 = tpu.memref_slice %arg3[%add3A, %dma_start3A_126] : memref<32x10240xi32, #tpu.memory_space<hbm>> -> memref<1x10240xi32, #tpu.memory_space<hbm>>
      %dma_start3A_128 = tpu.memref_squeeze %dma_start3A_127 : memref<1x10240xi32, #tpu.memory_space<hbm>> -> memref<10240xi32, #tpu.memory_space<hbm>>
      %dma_start3A_129 = arith.constant 0 : i32
      %dma_start3A_130 = tpu.memref_slice %arg3[%add3A, %dma_start3A_129] : memref<32x10240xi32, #tpu.memory_space<hbm>> -> memref<1x10240xi32, #tpu.memory_space<hbm>>
      %dma_start3A_131 = tpu.memref_squeeze %dma_start3A_130 : memref<1x10240xi32, #tpu.memory_space<hbm>> -> memref<10240xi32, #tpu.memory_space<hbm>>
      tpu.enqueue_dma source(%dma_start3A_131 : memref<10240xi32, #tpu.memory_space<hbm>>) target(%arg6 : memref<10240xi32, #tpu.memory_space<vmem>>) target_semaphore(%run_scoped3A : memref<!tpu.dma_semaphore, #tpu.memory_space<semaphore_mem>>)
      %dma_wait3A_132 = arith.constant 0 : i32
      %dma_wait3A_133 = tpu.memref_slice %arg3[%add3A, %dma_wait3A_132] : memref<32x10240xi32, #tpu.memory_space<hbm>> -> memref<1x10240xi32, #tpu.memory_space<hbm>>
      %dma_wait3A_134 = tpu.memref_squeeze %dma_wait3A_133 : memref<1x10240xi32, #tpu.memory_space<hbm>> -> memref<10240xi32, #tpu.memory_space<hbm>>
      %dma_wait3A_135 = arith.constant 0 : i32
      %dma_wait3A_136 = tpu.memref_slice %arg3[%add3A, %dma_wait3A_135] : memref<32x10240xi32, #tpu.memory_space<hbm>> -> memref<1x10240xi32, #tpu.memory_space<hbm>>
      %dma_wait3A_137 = tpu.memref_squeeze %dma_wait3A_136 : memref<1x10240xi32, #tpu.memory_space<hbm>> -> memref<10240xi32, #tpu.memory_space<hbm>>
      tpu.wait_dma2 semaphore(%run_scoped3A : memref<!tpu.dma_semaphore, #tpu.memory_space<semaphore_mem>>) src(%dma_wait3A_137 : memref<10240xi32, #tpu.memory_space<hbm>>) dst(%arg6 : memref<10240xi32, #tpu.memory_space<vmem>>)
      tpu.yield
    }) : () -> ()
    "tpu.region"() ({
      %run_scoped3A = tpu.sem_alloc : memref<!tpu.dma_semaphore, #tpu.memory_space<semaphore_mem>>
      %dma_start3A_126 = arith.constant 0 : i32
      %dma_start3A_127 = arith.constant 0 : i32
      %dma_start3A_128 = tpu.memref_slice %arg4[%add3A, %dma_start3A_126, %dma_start3A_127] : memref<32x128x80xi32, #tpu.memory_space<hbm>> -> memref<1x128x80xi32, #tpu.memory_space<hbm>>
      %dma_start3A_129 = tpu.memref_squeeze %dma_start3A_128 : memref<1x128x80xi32, #tpu.memory_space<hbm>> -> memref<128x80xi32, #tpu.memory_space<hbm>>
      %dma_start3A_130 = arith.constant 0 : i32
      %dma_start3A_131 = arith.constant 0 : i32
      %dma_start3A_132 = tpu.memref_slice %arg4[%add3A, %dma_start3A_130, %dma_start3A_131] : memref<32x128x80xi32, #tpu.memory_space<hbm>> -> memref<1x128x80xi32, #tpu.memory_space<hbm>>
      %dma_start3A_133 = tpu.memref_squeeze %dma_start3A_132 : memref<1x128x80xi32, #tpu.memory_space<hbm>> -> memref<128x80xi32, #tpu.memory_space<hbm>>
      tpu.enqueue_dma source(%dma_start3A_133 : memref<128x80xi32, #tpu.memory_space<hbm>>) target(%arg7 : memref<128x80xi32, #tpu.memory_space<vmem>>) target_semaphore(%run_scoped3A : memref<!tpu.dma_semaphore, #tpu.memory_space<semaphore_mem>>)
      %dma_wait3A_134 = arith.constant 0 : i32
      %dma_wait3A_135 = arith.constant 0 : i32
      %dma_wait3A_136 = tpu.memref_slice %arg4[%add3A, %dma_wait3A_134, %dma_wait3A_135] : memref<32x128x80xi32, #tpu.memory_space<hbm>> -> memref<1x128x80xi32, #tpu.memory_space<hbm>>
      %dma_wait3A_137 = tpu.memref_squeeze %dma_wait3A_136 : memref<1x128x80xi32, #tpu.memory_space<hbm>> -> memref<128x80xi32, #tpu.memory_space<hbm>>
      %dma_wait3A_138 = arith.constant 0 : i32
      %dma_wait3A_139 = arith.constant 0 : i32
      %dma_wait3A_140 = tpu.memref_slice %arg4[%add3A, %dma_wait3A_138, %dma_wait3A_139] : memref<32x128x80xi32, #tpu.memory_space<hbm>> -> memref<1x128x80xi32, #tpu.memory_space<hbm>>
      %dma_wait3A_141 = tpu.memref_squeeze %dma_wait3A_140 : memref<1x128x80xi32, #tpu.memory_space<hbm>> -> memref<128x80xi32, #tpu.memory_space<hbm>>
      tpu.wait_dma2 semaphore(%run_scoped3A : memref<!tpu.dma_semaphore, #tpu.memory_space<semaphore_mem>>) src(%dma_wait3A_141 : memref<128x80xi32, #tpu.memory_space<hbm>>) dst(%arg7 : memref<128x80xi32, #tpu.memory_space<vmem>>)
      tpu.yield
    }) : () -> ()
    %barrier3A = arith.constant 0 : index
    tpu.barrier barrier_id(%barrier3A)
    %dma_start3A = arith.constant 0 : i32
    %dma_start3A_7 = arith.constant 0 : i32
    %dma_start3A_8 = arith.constant 0 : i32
    %dma_start3A_9 = arith.constant 0 : i32
    %dma_start3A_10 = tpu.memref_slice %arg8[%dma_start3A, %dma_start3A_8, %dma_start3A_9] : memref<2x80x128xf32, #tpu.memory_space<vmem>> -> memref<1x80x128xf32, #tpu.memory_space<vmem>>
    %dma_start3A_11 = tpu.memref_squeeze %dma_start3A_10 : memref<1x80x128xf32, #tpu.memory_space<vmem>> -> memref<80x128xf32, #tpu.memory_space<vmem>>
    %dma_start3A_12 = arith.constant 0 : i32
    %dma_start3A_13 = tpu.memref_slice %arg6[%dma_start3A_12] : memref<10240xi32, #tpu.memory_space<vmem>> -> memref<80xi32, #tpu.memory_space<vmem>>
    %dma_start3A_14 = arith.constant 0 : i32
    %dma_start3A_15 = arith.constant 0 : i32
    %dma_start3A_16 = tpu.memref_slice %arg2[%dma_start3A_14, %dma_start3A_15] : memref<10240x128xf32, #tpu.memory_space<hbm>> -> memref<10240x128xf32, #tpu.memory_space<hbm>>
    %dma_start3A_17 = tpu.memref_slice %arg10[%dma_start3A_7] : memref<2x!tpu.dma_semaphore, #tpu.memory_space<semaphore_mem>> -> memref<1x!tpu.dma_semaphore, #tpu.memory_space<semaphore_mem>>
    %dma_start3A_18 = tpu.memref_squeeze %dma_start3A_17 : memref<1x!tpu.dma_semaphore, #tpu.memory_space<semaphore_mem>> -> memref<!tpu.dma_semaphore, #tpu.memory_space<semaphore_mem>>
    tpu.enqueue_indirect_dma source(%dma_start3A_16 : memref<10240x128xf32, #tpu.memory_space<hbm>>) target(%dma_start3A_11 : memref<80x128xf32, #tpu.memory_space<vmem>>) offsets(%dma_start3A_13 : memref<80xi32, #tpu.memory_space<vmem>>) semaphore(%dma_start3A_18 : memref<!tpu.dma_semaphore, #tpu.memory_space<semaphore_mem>>)
    %dma_start3A_19 = arith.constant 1 : i32
    %dma_start3A_20 = arith.constant 1 : i32
    %dma_start3A_21 = arith.constant 0 : i32
    %dma_start3A_22 = arith.constant 0 : i32
    %dma_start3A_23 = tpu.memref_slice %arg8[%dma_start3A_19, %dma_start3A_21, %dma_start3A_22] : memref<2x80x128xf32, #tpu.memory_space<vmem>> -> memref<1x80x128xf32, #tpu.memory_space<vmem>>
    %dma_start3A_24 = tpu.memref_squeeze %dma_start3A_23 : memref<1x80x128xf32, #tpu.memory_space<vmem>> -> memref<80x128xf32, #tpu.memory_space<vmem>>
    %dma_start3A_25 = arith.constant 80 : i32
    %dma_start3A_26 = tpu.memref_slice %arg6[%dma_start3A_25] : memref<10240xi32, #tpu.memory_space<vmem>> -> memref<80xi32, #tpu.memory_space<vmem>>
    %dma_start3A_27 = arith.constant 0 : i32
    %dma_start3A_28 = arith.constant 0 : i32
    %dma_start3A_29 = tpu.memref_slice %arg2[%dma_start3A_27, %dma_start3A_28] : memref<10240x128xf32, #tpu.memory_space<hbm>> -> memref<10240x128xf32, #tpu.memory_space<hbm>>
    %dma_start3A_30 = tpu.memref_slice %arg10[%dma_start3A_20] : memref<2x!tpu.dma_semaphore, #tpu.memory_space<semaphore_mem>> -> memref<1x!tpu.dma_semaphore, #tpu.memory_space<semaphore_mem>>
    %dma_start3A_31 = tpu.memref_squeeze %dma_start3A_30 : memref<1x!tpu.dma_semaphore, #tpu.memory_space<semaphore_mem>> -> memref<!tpu.dma_semaphore, #tpu.memory_space<semaphore_mem>>
    tpu.enqueue_indirect_dma source(%dma_start3A_29 : memref<10240x128xf32, #tpu.memory_space<hbm>>) target(%dma_start3A_24 : memref<80x128xf32, #tpu.memory_space<vmem>>) offsets(%dma_start3A_26 : memref<80xi32, #tpu.memory_space<vmem>>) semaphore(%dma_start3A_31 : memref<!tpu.dma_semaphore, #tpu.memory_space<semaphore_mem>>)
    %dma_wait3A = arith.constant 0 : i32
    %dma_wait3A_32 = arith.constant 0 : i32
    %dma_wait3A_33 = arith.constant 0 : i32
    %dma_wait3A_34 = arith.constant 0 : i32
    %dma_wait3A_35 = tpu.memref_slice %arg8[%dma_wait3A, %dma_wait3A_33, %dma_wait3A_34] : memref<2x80x128xf32, #tpu.memory_space<vmem>> -> memref<1x80x128xf32, #tpu.memory_space<vmem>>
    %dma_wait3A_36 = tpu.memref_squeeze %dma_wait3A_35 : memref<1x80x128xf32, #tpu.memory_space<vmem>> -> memref<80x128xf32, #tpu.memory_space<vmem>>
    %dma_wait3A_37 = arith.constant 0 : i32
    %dma_wait3A_38 = tpu.memref_slice %arg6[%dma_wait3A_37] : memref<10240xi32, #tpu.memory_space<vmem>> -> memref<80xi32, #tpu.memory_space<vmem>>
    %dma_wait3A_39 = arith.constant 0 : i32
    %dma_wait3A_40 = arith.constant 0 : i32
    %dma_wait3A_41 = tpu.memref_slice %arg2[%dma_wait3A_39, %dma_wait3A_40] : memref<10240x128xf32, #tpu.memory_space<hbm>> -> memref<10240x128xf32, #tpu.memory_space<hbm>>
    %dma_wait3A_42 = tpu.memref_slice %arg10[%dma_wait3A_32] : memref<2x!tpu.dma_semaphore, #tpu.memory_space<semaphore_mem>> -> memref<1x!tpu.dma_semaphore, #tpu.memory_space<semaphore_mem>>
    %dma_wait3A_43 = tpu.memref_squeeze %dma_wait3A_42 : memref<1x!tpu.dma_semaphore, #tpu.memory_space<semaphore_mem>> -> memref<!tpu.dma_semaphore, #tpu.memory_space<semaphore_mem>>
    tpu.wait_indirect_dma semaphore(%dma_wait3A_43 : memref<!tpu.dma_semaphore, #tpu.memory_space<semaphore_mem>>) src(%dma_wait3A_41 : memref<10240x128xf32, #tpu.memory_space<hbm>>) dst(%dma_wait3A_36 : memref<80x128xf32, #tpu.memory_space<vmem>>)
    %dma_start3A_44 = arith.constant 0 : i32
    %dma_start3A_45 = arith.constant 0 : i32
    %dma_start3A_46 = arith.constant 0 : i32
    %dma_start3A_47 = arith.constant 0 : i32
    %dma_start3A_48 = arith.constant 0 : i32
    %dma_start3A_49 = tpu.memref_slice %arg8[%dma_start3A_44, %dma_start3A_47, %dma_start3A_48] : memref<2x80x128xf32, #tpu.memory_space<vmem>> -> memref<1x80x128xf32, #tpu.memory_space<vmem>>
    %dma_start3A_50 = tpu.memref_squeeze %dma_start3A_49 : memref<1x80x128xf32, #tpu.memory_space<vmem>> -> memref<80x128xf32, #tpu.memory_space<vmem>>
    %dma_start3A_51 = arith.constant 0 : i32
    %dma_start3A_52 = tpu.memref_slice %arg7[%dma_start3A_45, %dma_start3A_51] : memref<128x80xi32, #tpu.memory_space<vmem>> -> memref<1x80xi32, #tpu.memory_space<vmem>>
    %dma_start3A_53 = tpu.memref_squeeze %dma_start3A_52 : memref<1x80xi32, #tpu.memory_space<vmem>> -> memref<80xi32, #tpu.memory_space<vmem>>
    %dma_start3A_54 = arith.constant 0 : i32
    %dma_start3A_55 = arith.constant 0 : i32
    %dma_start3A_56 = tpu.memref_slice %arg9[%dma_start3A_54, %dma_start3A_55] : memref<10240x128xf32, #tpu.memory_space<vmem_shared>> -> memref<10240x128xf32, #tpu.memory_space<vmem_shared>>
    %dma_start3A_57 = tpu.memref_slice %arg11[%dma_start3A_46] : memref<2x!tpu.dma_semaphore, #tpu.memory_space<semaphore_mem>> -> memref<1x!tpu.dma_semaphore, #tpu.memory_space<semaphore_mem>>
    %dma_start3A_58 = tpu.memref_squeeze %dma_start3A_57 : memref<1x!tpu.dma_semaphore, #tpu.memory_space<semaphore_mem>> -> memref<!tpu.dma_semaphore, #tpu.memory_space<semaphore_mem>>
    tpu.enqueue_indirect_dma source(%dma_start3A_50 : memref<80x128xf32, #tpu.memory_space<vmem>>) target(%dma_start3A_56 : memref<10240x128xf32, #tpu.memory_space<vmem_shared>>) offsets(%dma_start3A_53 : memref<80xi32, #tpu.memory_space<vmem>>) semaphore(%dma_start3A_58 : memref<!tpu.dma_semaphore, #tpu.memory_space<semaphore_mem>>) {add = true}
    %scan3A = arith.constant 0 : i32
    %scan3A_59 = arith.constant 63 : i32
    %scan3A_60 = arith.addi %scan3A, %scan3A_59 : i32
    %scan3A_61 = arith.constant 1 : i32
    scf.for %scan3A_126 = %scan3A to %scan3A_60 step %scan3A_61  : i32 {
      %mul3A_127 = arith.constant 1 : i32
      %mul3A_128 = arith.muli %scan3A_126, %mul3A_127 : i32
      %add3A_129 = arith.constant 1 : i32
      %add3A_130 = arith.addi %add3A_129, %mul3A_128 : i32
      %mul3A_131 = arith.constant 2 : i32
      %mul3A_132 = arith.muli %add3A_130, %mul3A_131 : i32
      %add3A_133 = arith.constant 0 : i32
      %add3A_134 = arith.addi %mul3A_132, %add3A_133 : i32
      %sub3A = arith.constant 2 : i32
      %sub3A_135 = arith.subi %add3A_134, %sub3A : i32
      %dma_wait3A_136 = arith.constant 0 : i32
      %dma_wait3A_137 = arith.constant 0 : i32
      %dma_wait3A_138 = arith.constant 0 : i32
      %dma_wait3A_139 = arith.constant 0 : i32
      %dma_wait3A_140 = tpu.memref_slice %arg8[%dma_wait3A_136, %dma_wait3A_138, %dma_wait3A_139] : memref<2x80x128xf32, #tpu.memory_space<vmem>> -> memref<1x80x128xf32, #tpu.memory_space<vmem>>
      %dma_wait3A_141 = tpu.memref_squeeze %dma_wait3A_140 : memref<1x80x128xf32, #tpu.memory_space<vmem>> -> memref<80x128xf32, #tpu.memory_space<vmem>>
      %dma_wait3A_142 = arith.constant 0 : i32
      %dma_wait3A_143 = tpu.memref_slice %arg7[%sub3A_135, %dma_wait3A_142] : memref<128x80xi32, #tpu.memory_space<vmem>> -> memref<1x80xi32, #tpu.memory_space<vmem>>
      %dma_wait3A_144 = tpu.memref_squeeze %dma_wait3A_143 : memref<1x80xi32, #tpu.memory_space<vmem>> -> memref<80xi32, #tpu.memory_space<vmem>>
      %dma_wait3A_145 = arith.constant 0 : i32
      %dma_wait3A_146 = arith.constant 0 : i32
      %dma_wait3A_147 = tpu.memref_slice %arg9[%dma_wait3A_145, %dma_wait3A_146] : memref<10240x128xf32, #tpu.memory_space<vmem_shared>> -> memref<10240x128xf32, #tpu.memory_space<vmem_shared>>
      %dma_wait3A_148 = tpu.memref_slice %arg11[%dma_wait3A_137] : memref<2x!tpu.dma_semaphore, #tpu.memory_space<semaphore_mem>> -> memref<1x!tpu.dma_semaphore, #tpu.memory_space<semaphore_mem>>
      %dma_wait3A_149 = tpu.memref_squeeze %dma_wait3A_148 : memref<1x!tpu.dma_semaphore, #tpu.memory_space<semaphore_mem>> -> memref<!tpu.dma_semaphore, #tpu.memory_space<semaphore_mem>>
      tpu.wait_indirect_dma semaphore(%dma_wait3A_149 : memref<!tpu.dma_semaphore, #tpu.memory_space<semaphore_mem>>) src(%dma_wait3A_141 : memref<80x128xf32, #tpu.memory_space<vmem>>) dst(%dma_wait3A_147 : memref<10240x128xf32, #tpu.memory_space<vmem_shared>>)
      %mul3A_150 = arith.constant 80 : i32
      %mul3A_151 = arith.muli %add3A_134, %mul3A_150 : i32
      %dma_start3A_152 = arith.constant 0 : i32
      %dma_start3A_153 = arith.constant 0 : i32
      %dma_start3A_154 = arith.constant 0 : i32
      %dma_start3A_155 = arith.constant 0 : i32
      %dma_start3A_156 = tpu.memref_slice %arg8[%dma_start3A_152, %dma_start3A_154, %dma_start3A_155] : memref<2x80x128xf32, #tpu.memory_space<vmem>> -> memref<1x80x128xf32, #tpu.memory_space<vmem>>
      %dma_start3A_157 = tpu.memref_squeeze %dma_start3A_156 : memref<1x80x128xf32, #tpu.memory_space<vmem>> -> memref<80x128xf32, #tpu.memory_space<vmem>>
      %dma_start3A_158 = tpu.memref_slice %arg6[%mul3A_151] : memref<10240xi32, #tpu.memory_space<vmem>> -> memref<80xi32, #tpu.memory_space<vmem>>
      %dma_start3A_159 = arith.constant 0 : i32
      %dma_start3A_160 = arith.constant 0 : i32
      %dma_start3A_161 = tpu.memref_slice %arg2[%dma_start3A_159, %dma_start3A_160] : memref<10240x128xf32, #tpu.memory_space<hbm>> -> memref<10240x128xf32, #tpu.memory_space<hbm>>
      %dma_start3A_162 = tpu.memref_slice %arg10[%dma_start3A_153] : memref<2x!tpu.dma_semaphore, #tpu.memory_space<semaphore_mem>> -> memref<1x!tpu.dma_semaphore, #tpu.memory_space<semaphore_mem>>
      %dma_start3A_163 = tpu.memref_squeeze %dma_start3A_162 : memref<1x!tpu.dma_semaphore, #tpu.memory_space<semaphore_mem>> -> memref<!tpu.dma_semaphore, #tpu.memory_space<semaphore_mem>>
      tpu.enqueue_indirect_dma source(%dma_start3A_161 : memref<10240x128xf32, #tpu.memory_space<hbm>>) target(%dma_start3A_157 : memref<80x128xf32, #tpu.memory_space<vmem>>) offsets(%dma_start3A_158 : memref<80xi32, #tpu.memory_space<vmem>>) semaphore(%dma_start3A_163 : memref<!tpu.dma_semaphore, #tpu.memory_space<semaphore_mem>>)
      %sub3A_164 = arith.constant 1 : i32
      %sub3A_165 = arith.subi %add3A_134, %sub3A_164 : i32
      %mul3A_166 = arith.constant 80 : i32
      %mul3A_167 = arith.muli %sub3A_165, %mul3A_166 : i32
      %dma_wait3A_168 = arith.constant 1 : i32
      %dma_wait3A_169 = arith.constant 1 : i32
      %dma_wait3A_170 = arith.constant 0 : i32
      %dma_wait3A_171 = arith.constant 0 : i32
      %dma_wait3A_172 = tpu.memref_slice %arg8[%dma_wait3A_168, %dma_wait3A_170, %dma_wait3A_171] : memref<2x80x128xf32, #tpu.memory_space<vmem>> -> memref<1x80x128xf32, #tpu.memory_space<vmem>>
      %dma_wait3A_173 = tpu.memref_squeeze %dma_wait3A_172 : memref<1x80x128xf32, #tpu.memory_space<vmem>> -> memref<80x128xf32, #tpu.memory_space<vmem>>
      %dma_wait3A_174 = tpu.memref_slice %arg6[%mul3A_167] : memref<10240xi32, #tpu.memory_space<vmem>> -> memref<80xi32, #tpu.memory_space<vmem>>
      %dma_wait3A_175 = arith.constant 0 : i32
      %dma_wait3A_176 = arith.constant 0 : i32
      %dma_wait3A_177 = tpu.memref_slice %arg2[%dma_wait3A_175, %dma_wait3A_176] : memref<10240x128xf32, #tpu.memory_space<hbm>> -> memref<10240x128xf32, #tpu.memory_space<hbm>>
      %dma_wait3A_178 = tpu.memref_slice %arg10[%dma_wait3A_169] : memref<2x!tpu.dma_semaphore, #tpu.memory_space<semaphore_mem>> -> memref<1x!tpu.dma_semaphore, #tpu.memory_space<semaphore_mem>>
      %dma_wait3A_179 = tpu.memref_squeeze %dma_wait3A_178 : memref<1x!tpu.dma_semaphore, #tpu.memory_space<semaphore_mem>> -> memref<!tpu.dma_semaphore, #tpu.memory_space<semaphore_mem>>
      tpu.wait_indirect_dma semaphore(%dma_wait3A_179 : memref<!tpu.dma_semaphore, #tpu.memory_space<semaphore_mem>>) src(%dma_wait3A_177 : memref<10240x128xf32, #tpu.memory_space<hbm>>) dst(%dma_wait3A_173 : memref<80x128xf32, #tpu.memory_space<vmem>>)
      %sub3A_180 = arith.constant 1 : i32
      %sub3A_181 = arith.subi %add3A_134, %sub3A_180 : i32
      %dma_start3A_182 = arith.constant 1 : i32
      %dma_start3A_183 = arith.constant 1 : i32
      %dma_start3A_184 = arith.constant 0 : i32
      %dma_start3A_185 = arith.constant 0 : i32
      %dma_start3A_186 = tpu.memref_slice %arg8[%dma_start3A_182, %dma_start3A_184, %dma_start3A_185] : memref<2x80x128xf32, #tpu.memory_space<vmem>> -> memref<1x80x128xf32, #tpu.memory_space<vmem>>
      %dma_start3A_187 = tpu.memref_squeeze %dma_start3A_186 : memref<1x80x128xf32, #tpu.memory_space<vmem>> -> memref<80x128xf32, #tpu.memory_space<vmem>>
      %dma_start3A_188 = arith.constant 0 : i32
      %dma_start3A_189 = tpu.memref_slice %arg7[%sub3A_181, %dma_start3A_188] : memref<128x80xi32, #tpu.memory_space<vmem>> -> memref<1x80xi32, #tpu.memory_space<vmem>>
      %dma_start3A_190 = tpu.memref_squeeze %dma_start3A_189 : memref<1x80xi32, #tpu.memory_space<vmem>> -> memref<80xi32, #tpu.memory_space<vmem>>
      %dma_start3A_191 = arith.constant 0 : i32
      %dma_start3A_192 = arith.constant 0 : i32
      %dma_start3A_193 = tpu.memref_slice %arg9[%dma_start3A_191, %dma_start3A_192] : memref<10240x128xf32, #tpu.memory_space<vmem_shared>> -> memref<10240x128xf32, #tpu.memory_space<vmem_shared>>
      %dma_start3A_194 = tpu.memref_slice %arg11[%dma_start3A_183] : memref<2x!tpu.dma_semaphore, #tpu.memory_space<semaphore_mem>> -> memref<1x!tpu.dma_semaphore, #tpu.memory_space<semaphore_mem>>
      %dma_start3A_195 = tpu.memref_squeeze %dma_start3A_194 : memref<1x!tpu.dma_semaphore, #tpu.memory_space<semaphore_mem>> -> memref<!tpu.dma_semaphore, #tpu.memory_space<semaphore_mem>>
      tpu.enqueue_indirect_dma source(%dma_start3A_187 : memref<80x128xf32, #tpu.memory_space<vmem>>) target(%dma_start3A_193 : memref<10240x128xf32, #tpu.memory_space<vmem_shared>>) offsets(%dma_start3A_190 : memref<80xi32, #tpu.memory_space<vmem>>) semaphore(%dma_start3A_195 : memref<!tpu.dma_semaphore, #tpu.memory_space<semaphore_mem>>) {add = true}
      %mul3A_196 = arith.constant 2 : i32
      %mul3A_197 = arith.muli %add3A_130, %mul3A_196 : i32
      %add3A_198 = arith.constant 1 : i32
      %add3A_199 = arith.addi %mul3A_197, %add3A_198 : i32
      %sub3A_200 = arith.constant 2 : i32
      %sub3A_201 = arith.subi %add3A_199, %sub3A_200 : i32
      %dma_wait3A_202 = arith.constant 1 : i32
      %dma_wait3A_203 = arith.constant 1 : i32
      %dma_wait3A_204 = arith.constant 0 : i32
      %dma_wait3A_205 = arith.constant 0 : i32
      %dma_wait3A_206 = tpu.memref_slice %arg8[%dma_wait3A_202, %dma_wait3A_204, %dma_wait3A_205] : memref<2x80x128xf32, #tpu.memory_space<vmem>> -> memref<1x80x128xf32, #tpu.memory_space<vmem>>
      %dma_wait3A_207 = tpu.memref_squeeze %dma_wait3A_206 : memref<1x80x128xf32, #tpu.memory_space<vmem>> -> memref<80x128xf32, #tpu.memory_space<vmem>>
      %dma_wait3A_208 = arith.constant 0 : i32
      %dma_wait3A_209 = tpu.memref_slice %arg7[%sub3A_201, %dma_wait3A_208] : memref<128x80xi32, #tpu.memory_space<vmem>> -> memref<1x80xi32, #tpu.memory_space<vmem>>
      %dma_wait3A_210 = tpu.memref_squeeze %dma_wait3A_209 : memref<1x80xi32, #tpu.memory_space<vmem>> -> memref<80xi32, #tpu.memory_space<vmem>>
      %dma_wait3A_211 = arith.constant 0 : i32
      %dma_wait3A_212 = arith.constant 0 : i32
      %dma_wait3A_213 = tpu.memref_slice %arg9[%dma_wait3A_211, %dma_wait3A_212] : memref<10240x128xf32, #tpu.memory_space<vmem_shared>> -> memref<10240x128xf32, #tpu.memory_space<vmem_shared>>
      %dma_wait3A_214 = tpu.memref_slice %arg11[%dma_wait3A_203] : memref<2x!tpu.dma_semaphore, #tpu.memory_space<semaphore_mem>> -> memref<1x!tpu.dma_semaphore, #tpu.memory_space<semaphore_mem>>
      %dma_wait3A_215 = tpu.memref_squeeze %dma_wait3A_214 : memref<1x!tpu.dma_semaphore, #tpu.memory_space<semaphore_mem>> -> memref<!tpu.dma_semaphore, #tpu.memory_space<semaphore_mem>>
      tpu.wait_indirect_dma semaphore(%dma_wait3A_215 : memref<!tpu.dma_semaphore, #tpu.memory_space<semaphore_mem>>) src(%dma_wait3A_207 : memref<80x128xf32, #tpu.memory_space<vmem>>) dst(%dma_wait3A_213 : memref<10240x128xf32, #tpu.memory_space<vmem_shared>>)
      %mul3A_216 = arith.constant 80 : i32
      %mul3A_217 = arith.muli %add3A_199, %mul3A_216 : i32
      %dma_start3A_218 = arith.constant 1 : i32
      %dma_start3A_219 = arith.constant 1 : i32
      %dma_start3A_220 = arith.constant 0 : i32
      %dma_start3A_221 = arith.constant 0 : i32
      %dma_start3A_222 = tpu.memref_slice %arg8[%dma_start3A_218, %dma_start3A_220, %dma_start3A_221] : memref<2x80x128xf32, #tpu.memory_space<vmem>> -> memref<1x80x128xf32, #tpu.memory_space<vmem>>
      %dma_start3A_223 = tpu.memref_squeeze %dma_start3A_222 : memref<1x80x128xf32, #tpu.memory_space<vmem>> -> memref<80x128xf32, #tpu.memory_space<vmem>>
      %dma_start3A_224 = tpu.memref_slice %arg6[%mul3A_217] : memref<10240xi32, #tpu.memory_space<vmem>> -> memref<80xi32, #tpu.memory_space<vmem>>
      %dma_start3A_225 = arith.constant 0 : i32
      %dma_start3A_226 = arith.constant 0 : i32
      %dma_start3A_227 = tpu.memref_slice %arg2[%dma_start3A_225, %dma_start3A_226] : memref<10240x128xf32, #tpu.memory_space<hbm>> -> memref<10240x128xf32, #tpu.memory_space<hbm>>
      %dma_start3A_228 = tpu.memref_slice %arg10[%dma_start3A_219] : memref<2x!tpu.dma_semaphore, #tpu.memory_space<semaphore_mem>> -> memref<1x!tpu.dma_semaphore, #tpu.memory_space<semaphore_mem>>
      %dma_start3A_229 = tpu.memref_squeeze %dma_start3A_228 : memref<1x!tpu.dma_semaphore, #tpu.memory_space<semaphore_mem>> -> memref<!tpu.dma_semaphore, #tpu.memory_space<semaphore_mem>>
      tpu.enqueue_indirect_dma source(%dma_start3A_227 : memref<10240x128xf32, #tpu.memory_space<hbm>>) target(%dma_start3A_223 : memref<80x128xf32, #tpu.memory_space<vmem>>) offsets(%dma_start3A_224 : memref<80xi32, #tpu.memory_space<vmem>>) semaphore(%dma_start3A_229 : memref<!tpu.dma_semaphore, #tpu.memory_space<semaphore_mem>>)
      %sub3A_230 = arith.constant 1 : i32
      %sub3A_231 = arith.subi %add3A_199, %sub3A_230 : i32
      %mul3A_232 = arith.constant 80 : i32
      %mul3A_233 = arith.muli %sub3A_231, %mul3A_232 : i32
      %dma_wait3A_234 = arith.constant 0 : i32
      %dma_wait3A_235 = arith.constant 0 : i32
      %dma_wait3A_236 = arith.constant 0 : i32
      %dma_wait3A_237 = arith.constant 0 : i32
      %dma_wait3A_238 = tpu.memref_slice %arg8[%dma_wait3A_234, %dma_wait3A_236, %dma_wait3A_237] : memref<2x80x128xf32, #tpu.memory_space<vmem>> -> memref<1x80x128xf32, #tpu.memory_space<vmem>>
      %dma_wait3A_239 = tpu.memref_squeeze %dma_wait3A_238 : memref<1x80x128xf32, #tpu.memory_space<vmem>> -> memref<80x128xf32, #tpu.memory_space<vmem>>
      %dma_wait3A_240 = tpu.memref_slice %arg6[%mul3A_233] : memref<10240xi32, #tpu.memory_space<vmem>> -> memref<80xi32, #tpu.memory_space<vmem>>
      %dma_wait3A_241 = arith.constant 0 : i32
      %dma_wait3A_242 = arith.constant 0 : i32
      %dma_wait3A_243 = tpu.memref_slice %arg2[%dma_wait3A_241, %dma_wait3A_242] : memref<10240x128xf32, #tpu.memory_space<hbm>> -> memref<10240x128xf32, #tpu.memory_space<hbm>>
      %dma_wait3A_244 = tpu.memref_slice %arg10[%dma_wait3A_235] : memref<2x!tpu.dma_semaphore, #tpu.memory_space<semaphore_mem>> -> memref<1x!tpu.dma_semaphore, #tpu.memory_space<semaphore_mem>>
      %dma_wait3A_245 = tpu.memref_squeeze %dma_wait3A_244 : memref<1x!tpu.dma_semaphore, #tpu.memory_space<semaphore_mem>> -> memref<!tpu.dma_semaphore, #tpu.memory_space<semaphore_mem>>
      tpu.wait_indirect_dma semaphore(%dma_wait3A_245 : memref<!tpu.dma_semaphore, #tpu.memory_space<semaphore_mem>>) src(%dma_wait3A_243 : memref<10240x128xf32, #tpu.memory_space<hbm>>) dst(%dma_wait3A_239 : memref<80x128xf32, #tpu.memory_space<vmem>>)
      %sub3A_246 = arith.constant 1 : i32
      %sub3A_247 = arith.subi %add3A_199, %sub3A_246 : i32
      %dma_start3A_248 = arith.constant 0 : i32
      %dma_start3A_249 = arith.constant 0 : i32
      %dma_start3A_250 = arith.constant 0 : i32
      %dma_start3A_251 = arith.constant 0 : i32
      %dma_start3A_252 = tpu.memref_slice %arg8[%dma_start3A_248, %dma_start3A_250, %dma_start3A_251] : memref<2x80x128xf32, #tpu.memory_space<vmem>> -> memref<1x80x128xf32, #tpu.memory_space<vmem>>
      %dma_start3A_253 = tpu.memref_squeeze %dma_start3A_252 : memref<1x80x128xf32, #tpu.memory_space<vmem>> -> memref<80x128xf32, #tpu.memory_space<vmem>>
      %dma_start3A_254 = arith.constant 0 : i32
      %dma_start3A_255 = tpu.memref_slice %arg7[%sub3A_247, %dma_start3A_254] : memref<128x80xi32, #tpu.memory_space<vmem>> -> memref<1x80xi32, #tpu.memory_space<vmem>>
      %dma_start3A_256 = tpu.memref_squeeze %dma_start3A_255 : memref<1x80xi32, #tpu.memory_space<vmem>> -> memref<80xi32, #tpu.memory_space<vmem>>
      %dma_start3A_257 = arith.constant 0 : i32
      %dma_start3A_258 = arith.constant 0 : i32
      %dma_start3A_259 = tpu.memref_slice %arg9[%dma_start3A_257, %dma_start3A_258] : memref<10240x128xf32, #tpu.memory_space<vmem_shared>> -> memref<10240x128xf32, #tpu.memory_space<vmem_shared>>
      %dma_start3A_260 = tpu.memref_slice %arg11[%dma_start3A_249] : memref<2x!tpu.dma_semaphore, #tpu.memory_space<semaphore_mem>> -> memref<1x!tpu.dma_semaphore, #tpu.memory_space<semaphore_mem>>
      %dma_start3A_261 = tpu.memref_squeeze %dma_start3A_260 : memref<1x!tpu.dma_semaphore, #tpu.memory_space<semaphore_mem>> -> memref<!tpu.dma_semaphore, #tpu.memory_space<semaphore_mem>>
      tpu.enqueue_indirect_dma source(%dma_start3A_253 : memref<80x128xf32, #tpu.memory_space<vmem>>) target(%dma_start3A_259 : memref<10240x128xf32, #tpu.memory_space<vmem_shared>>) offsets(%dma_start3A_256 : memref<80xi32, #tpu.memory_space<vmem>>) semaphore(%dma_start3A_261 : memref<!tpu.dma_semaphore, #tpu.memory_space<semaphore_mem>>) {add = true}
    }
    %scan3A_62 = arith.constant 63 : i32
    %dma_wait3A_63 = arith.constant 1 : i32
    %dma_wait3A_64 = arith.constant 1 : i32
    %dma_wait3A_65 = arith.constant 0 : i32
    %dma_wait3A_66 = arith.constant 0 : i32
    %dma_wait3A_67 = tpu.memref_slice %arg8[%dma_wait3A_63, %dma_wait3A_65, %dma_wait3A_66] : memref<2x80x128xf32, #tpu.memory_space<vmem>> -> memref<1x80x128xf32, #tpu.memory_space<vmem>>
    %dma_wait3A_68 = tpu.memref_squeeze %dma_wait3A_67 : memref<1x80x128xf32, #tpu.memory_space<vmem>> -> memref<80x128xf32, #tpu.memory_space<vmem>>
    %dma_wait3A_69 = arith.constant 10160 : i32
    %dma_wait3A_70 = tpu.memref_slice %arg6[%dma_wait3A_69] : memref<10240xi32, #tpu.memory_space<vmem>> -> memref<80xi32, #tpu.memory_space<vmem>>
    %dma_wait3A_71 = arith.constant 0 : i32
    %dma_wait3A_72 = arith.constant 0 : i32
    %dma_wait3A_73 = tpu.memref_slice %arg2[%dma_wait3A_71, %dma_wait3A_72] : memref<10240x128xf32, #tpu.memory_space<hbm>> -> memref<10240x128xf32, #tpu.memory_space<hbm>>
    %dma_wait3A_74 = tpu.memref_slice %arg10[%dma_wait3A_64] : memref<2x!tpu.dma_semaphore, #tpu.memory_space<semaphore_mem>> -> memref<1x!tpu.dma_semaphore, #tpu.memory_space<semaphore_mem>>
    %dma_wait3A_75 = tpu.memref_squeeze %dma_wait3A_74 : memref<1x!tpu.dma_semaphore, #tpu.memory_space<semaphore_mem>> -> memref<!tpu.dma_semaphore, #tpu.memory_space<semaphore_mem>>
    tpu.wait_indirect_dma semaphore(%dma_wait3A_75 : memref<!tpu.dma_semaphore, #tpu.memory_space<semaphore_mem>>) src(%dma_wait3A_73 : memref<10240x128xf32, #tpu.memory_space<hbm>>) dst(%dma_wait3A_68 : memref<80x128xf32, #tpu.memory_space<vmem>>)
    %dma_start3A_76 = arith.constant 1 : i32
    %dma_start3A_77 = arith.constant 127 : i32
    %dma_start3A_78 = arith.constant 1 : i32
    %dma_start3A_79 = arith.constant 0 : i32
    %dma_start3A_80 = arith.constant 0 : i32
    %dma_start3A_81 = tpu.memref_slice %arg8[%dma_start3A_76, %dma_start3A_79, %dma_start3A_80] : memref<2x80x128xf32, #tpu.memory_space<vmem>> -> memref<1x80x128xf32, #tpu.memory_space<vmem>>
    %dma_start3A_82 = tpu.memref_squeeze %dma_start3A_81 : memref<1x80x128xf32, #tpu.memory_space<vmem>> -> memref<80x128xf32, #tpu.memory_space<vmem>>
    %dma_start3A_83 = arith.constant 0 : i32
    %dma_start3A_84 = tpu.memref_slice %arg7[%dma_start3A_77, %dma_start3A_83] : memref<128x80xi32, #tpu.memory_space<vmem>> -> memref<1x80xi32, #tpu.memory_space<vmem>>
    %dma_start3A_85 = tpu.memref_squeeze %dma_start3A_84 : memref<1x80xi32, #tpu.memory_space<vmem>> -> memref<80xi32, #tpu.memory_space<vmem>>
    %dma_start3A_86 = arith.constant 0 : i32
    %dma_start3A_87 = arith.constant 0 : i32
    %dma_start3A_88 = tpu.memref_slice %arg9[%dma_start3A_86, %dma_start3A_87] : memref<10240x128xf32, #tpu.memory_space<vmem_shared>> -> memref<10240x128xf32, #tpu.memory_space<vmem_shared>>
    %dma_start3A_89 = tpu.memref_slice %arg11[%dma_start3A_78] : memref<2x!tpu.dma_semaphore, #tpu.memory_space<semaphore_mem>> -> memref<1x!tpu.dma_semaphore, #tpu.memory_space<semaphore_mem>>
    %dma_start3A_90 = tpu.memref_squeeze %dma_start3A_89 : memref<1x!tpu.dma_semaphore, #tpu.memory_space<semaphore_mem>> -> memref<!tpu.dma_semaphore, #tpu.memory_space<semaphore_mem>>
    tpu.enqueue_indirect_dma source(%dma_start3A_82 : memref<80x128xf32, #tpu.memory_space<vmem>>) target(%dma_start3A_88 : memref<10240x128xf32, #tpu.memory_space<vmem_shared>>) offsets(%dma_start3A_85 : memref<80xi32, #tpu.memory_space<vmem>>) semaphore(%dma_start3A_90 : memref<!tpu.dma_semaphore, #tpu.memory_space<semaphore_mem>>) {add = true}
    %dma_wait3A_91 = arith.constant 0 : i32
    %dma_wait3A_92 = arith.constant 126 : i32
    %dma_wait3A_93 = arith.constant 0 : i32
    %dma_wait3A_94 = arith.constant 0 : i32
    %dma_wait3A_95 = arith.constant 0 : i32
    %dma_wait3A_96 = tpu.memref_slice %arg8[%dma_wait3A_91, %dma_wait3A_94, %dma_wait3A_95] : memref<2x80x128xf32, #tpu.memory_space<vmem>> -> memref<1x80x128xf32, #tpu.memory_space<vmem>>
    %dma_wait3A_97 = tpu.memref_squeeze %dma_wait3A_96 : memref<1x80x128xf32, #tpu.memory_space<vmem>> -> memref<80x128xf32, #tpu.memory_space<vmem>>
    %dma_wait3A_98 = arith.constant 0 : i32
    %dma_wait3A_99 = tpu.memref_slice %arg7[%dma_wait3A_92, %dma_wait3A_98] : memref<128x80xi32, #tpu.memory_space<vmem>> -> memref<1x80xi32, #tpu.memory_space<vmem>>
    %dma_wait3A_100 = tpu.memref_squeeze %dma_wait3A_99 : memref<1x80xi32, #tpu.memory_space<vmem>> -> memref<80xi32, #tpu.memory_space<vmem>>
    %dma_wait3A_101 = arith.constant 0 : i32
    %dma_wait3A_102 = arith.constant 0 : i32
    %dma_wait3A_103 = tpu.memref_slice %arg9[%dma_wait3A_101, %dma_wait3A_102] : memref<10240x128xf32, #tpu.memory_space<vmem_shared>> -> memref<10240x128xf32, #tpu.memory_space<vmem_shared>>
    %dma_wait3A_104 = tpu.memref_slice %arg11[%dma_wait3A_93] : memref<2x!tpu.dma_semaphore, #tpu.memory_space<semaphore_mem>> -> memref<1x!tpu.dma_semaphore, #tpu.memory_space<semaphore_mem>>
    %dma_wait3A_105 = tpu.memref_squeeze %dma_wait3A_104 : memref<1x!tpu.dma_semaphore, #tpu.memory_space<semaphore_mem>> -> memref<!tpu.dma_semaphore, #tpu.memory_space<semaphore_mem>>
    tpu.wait_indirect_dma semaphore(%dma_wait3A_105 : memref<!tpu.dma_semaphore, #tpu.memory_space<semaphore_mem>>) src(%dma_wait3A_97 : memref<80x128xf32, #tpu.memory_space<vmem>>) dst(%dma_wait3A_103 : memref<10240x128xf32, #tpu.memory_space<vmem_shared>>)
    %dma_wait3A_106 = arith.constant 1 : i32
    %dma_wait3A_107 = arith.constant 127 : i32
    %dma_wait3A_108 = arith.constant 1 : i32
    %dma_wait3A_109 = arith.constant 0 : i32
    %dma_wait3A_110 = arith.constant 0 : i32
    %dma_wait3A_111 = tpu.memref_slice %arg8[%dma_wait3A_106, %dma_wait3A_109, %dma_wait3A_110] : memref<2x80x128xf32, #tpu.memory_space<vmem>> -> memref<1x80x128xf32, #tpu.memory_space<vmem>>
    %dma_wait3A_112 = tpu.memref_squeeze %dma_wait3A_111 : memref<1x80x128xf32, #tpu.memory_space<vmem>> -> memref<80x128xf32, #tpu.memory_space<vmem>>
    %dma_wait3A_113 = arith.constant 0 : i32
    %dma_wait3A_114 = tpu.memref_slice %arg7[%dma_wait3A_107, %dma_wait3A_113] : memref<128x80xi32, #tpu.memory_space<vmem>> -> memref<1x80xi32, #tpu.memory_space<vmem>>
    %dma_wait3A_115 = tpu.memref_squeeze %dma_wait3A_114 : memref<1x80xi32, #tpu.memory_space<vmem>> -> memref<80xi32, #tpu.memory_space<vmem>>
    %dma_wait3A_116 = arith.constant 0 : i32
    %dma_wait3A_117 = arith.constant 0 : i32
    %dma_wait3A_118 = tpu.memref_slice %arg9[%dma_wait3A_116, %dma_wait3A_117] : memref<10240x128xf32, #tpu.memory_space<vmem_shared>> -> memref<10240x128xf32, #tpu.memory_space<vmem_shared>>
    %dma_wait3A_119 = tpu.memref_slice %arg11[%dma_wait3A_108] : memref<2x!tpu.dma_semaphore, #tpu.memory_space<semaphore_mem>> -> memref<1x!tpu.dma_semaphore, #tpu.memory_space<semaphore_mem>>
    %dma_wait3A_120 = tpu.memref_squeeze %dma_wait3A_119 : memref<1x!tpu.dma_semaphore, #tpu.memory_space<semaphore_mem>> -> memref<!tpu.dma_semaphore, #tpu.memory_space<semaphore_mem>>
    tpu.wait_indirect_dma semaphore(%dma_wait3A_120 : memref<!tpu.dma_semaphore, #tpu.memory_space<semaphore_mem>>) src(%dma_wait3A_112 : memref<80x128xf32, #tpu.memory_space<vmem>>) dst(%dma_wait3A_118 : memref<10240x128xf32, #tpu.memory_space<vmem_shared>>)
    %barrier3A_121 = arith.constant 0 : index
    tpu.barrier barrier_id(%barrier3A_121)
    %mul3A_122 = arith.constant 640 : i32
    %mul3A_123 = arith.muli %arg1, %mul3A_122 : i32
    %mul3A_124 = arith.constant 640 : i32
    %mul3A_125 = arith.muli %arg1, %mul3A_124 : i32
    "tpu.region"() ({
      %run_scoped3A = tpu.sem_alloc : memref<!tpu.dma_semaphore, #tpu.memory_space<semaphore_mem>>
      %dma_start3A_126 = arith.constant 0 : i32
      %dma_start3A_127 = tpu.memref_slice %arg5[%arg0, %mul3A_125, %dma_start3A_126] : memref<2x10240x128xf32, #tpu.memory_space<hbm>> -> memref<1x640x128xf32, #tpu.memory_space<hbm>>
      %dma_start3A_128 = tpu.memref_squeeze %dma_start3A_127 : memref<1x640x128xf32, #tpu.memory_space<hbm>> -> memref<640x128xf32, #tpu.memory_space<hbm>>
      %dma_start3A_129 = arith.constant 0 : i32
      %dma_start3A_130 = tpu.memref_slice %arg9[%mul3A_123, %dma_start3A_129] : memref<10240x128xf32, #tpu.memory_space<vmem_shared>> -> memref<640x128xf32, #tpu.memory_space<vmem_shared>>
      tpu.enqueue_dma source(%dma_start3A_130 : memref<640x128xf32, #tpu.memory_space<vmem_shared>>) target(%dma_start3A_128 : memref<640x128xf32, #tpu.memory_space<hbm>>) target_semaphore(%run_scoped3A : memref<!tpu.dma_semaphore, #tpu.memory_space<semaphore_mem>>)
      %dma_wait3A_131 = arith.constant 0 : i32
      %dma_wait3A_132 = tpu.memref_slice %arg5[%arg0, %mul3A_125, %dma_wait3A_131] : memref<2x10240x128xf32, #tpu.memory_space<hbm>> -> memref<1x640x128xf32, #tpu.memory_space<hbm>>
      %dma_wait3A_133 = tpu.memref_squeeze %dma_wait3A_132 : memref<1x640x128xf32, #tpu.memory_space<hbm>> -> memref<640x128xf32, #tpu.memory_space<hbm>>
      %dma_wait3A_134 = arith.constant 0 : i32
      %dma_wait3A_135 = tpu.memref_slice %arg9[%mul3A_123, %dma_wait3A_134] : memref<10240x128xf32, #tpu.memory_space<vmem_shared>> -> memref<640x128xf32, #tpu.memory_space<vmem_shared>>
      tpu.wait_dma2 semaphore(%run_scoped3A : memref<!tpu.dma_semaphore, #tpu.memory_space<semaphore_mem>>) src(%dma_wait3A_135 : memref<640x128xf32, #tpu.memory_space<vmem_shared>>) dst(%dma_wait3A_133 : memref<640x128xf32, #tpu.memory_space<hbm>>)
      tpu.yield
    }) : () -> ()
    return
  }
}

module attributes {stable_mosaic.version = 14 : i64} {
  func.func @_scale_body(%arg0: i32, %arg1: memref<1024x1xf32, #tpu.memory_space<vmem>>, %arg2: memref<1024x1xf32, #tpu.memory_space<vmem>>, %arg3: memref<1024x128xf32, #tpu.memory_space<vmem>>, %arg4: memref<1024x128xf32, #tpu.memory_space<vmem>>, %arg5: memref<1024x1xf32, #tpu.memory_space<vmem>>) attributes {dimension_semantics = [#tpu.dimension_semantics<arbitrary>], iteration_bounds = array<i64: 10>, scalar_prefetch = 0 : i64, scratch_operands = 0 : i64, tpu.core_type = #tpu.core_type<tc>, window_params = [{transform_indices = @transform_0, window_bounds = array<i64: 1024, 1>}, {transform_indices = @transform_1, window_bounds = array<i64: 1024, 1>}, {transform_indices = @transform_2, window_bounds = array<i64: 1024, 128>}, {transform_indices = @transform_3, window_bounds = array<i64: 1024, 128>}, {transform_indices = @transform_4, window_bounds = array<i64: 1024, 1>}]} {
    %get3A = arith.constant 0 : index
    %get3A_0 = arith.constant 0 : index
    %get3A_1 = vector.load %arg1[%get3A, %get3A_0] : memref<1024x1xf32, #tpu.memory_space<vmem>>, vector<1024x1xf32>
    %get3A_2 = arith.constant 0 : index
    %get3A_3 = arith.constant 0 : index
    %get3A_4 = vector.load %arg2[%get3A_2, %get3A_3] : memref<1024x1xf32, #tpu.memory_space<vmem>>, vector<1024x1xf32>
    %add3A = arith.addf %get3A_1, %get3A_4 : vector<1024x1xf32>
    %add3A_5 = arith.constant 1.000000e+00 : f32
    %add3A_6 = vector.broadcast %add3A_5 : f32 to vector<1024x1xf32>
    %add3A_7 = arith.addf %add3A, %add3A_6 : vector<1024x1xf32>
    %rsqrt3A = math.rsqrt %add3A_7 : vector<1024x1xf32>
    %swap3A = arith.constant 0 : index
    %swap3A_8 = arith.constant 0 : index
    %swap3A_9 = vector.load %arg5[%swap3A, %swap3A_8] : memref<1024x1xf32, #tpu.memory_space<vmem>>, vector<1024x1xf32>
    tpu.vector_store %arg5[%swap3A, %swap3A_8], %rsqrt3A {strides = array<i32>} : memref<1024x1xf32, #tpu.memory_space<vmem>>, vector<1024x1xf32>,
    %get3A_10 = arith.constant 0 : index
    %get3A_11 = arith.constant 0 : index
    %get3A_12 = vector.load %arg3[%get3A_10, %get3A_11] : memref<1024x128xf32, #tpu.memory_space<vmem>>, vector<1024x128xf32>
    %mul3A = vector.broadcast %rsqrt3A : vector<1024x1xf32> to vector<1024x128xf32>
    %mul3A_13 = arith.mulf %mul3A, %get3A_12 : vector<1024x128xf32>
    %swap3A_14 = arith.constant 0 : index
    %swap3A_15 = arith.constant 0 : index
    %swap3A_16 = vector.load %arg4[%swap3A_14, %swap3A_15] : memref<1024x128xf32, #tpu.memory_space<vmem>>, vector<1024x128xf32>
    tpu.vector_store %arg4[%swap3A_14, %swap3A_15], %mul3A_13 {strides = array<i32>} : memref<1024x128xf32, #tpu.memory_space<vmem>>, vector<1024x128xf32>,
    return
  }
  func.func @transform_0(%arg0: i32) -> (i32, i32) {
    %c0_i32 = arith.constant 0 : i32
    %c0_i32_0 = arith.constant 0 : i32
    return %arg0, %c0_i32 : i32, i32
  }
  func.func @transform_1(%arg0: i32) -> (i32, i32) {
    %c0_i32 = arith.constant 0 : i32
    %c0_i32_0 = arith.constant 0 : i32
    return %arg0, %c0_i32 : i32, i32
  }
  func.func @transform_2(%arg0: i32) -> (i32, i32) {
    %c0_i32 = arith.constant 0 : i32
    %c0_i32_0 = arith.constant 0 : i32
    return %arg0, %c0_i32 : i32, i32
  }
  func.func @transform_3(%arg0: i32) -> (i32, i32) {
    %c0_i32 = arith.constant 0 : i32
    %c0_i32_0 = arith.constant 0 : i32
    return %arg0, %c0_i32 : i32, i32
  }
  func.func @transform_4(%arg0: i32) -> (i32, i32) {
    %c0_i32 = arith.constant 0 : i32
    %c0_i32_0 = arith.constant 0 : i32
    return %arg0, %c0_i32 : i32, i32
  }
}

module attributes {stable_mosaic.version = 14 : i64} {
  func.func @_final_body(%arg0: i32, %arg1: memref<1024x128xf32, #tpu.memory_space<vmem>>, %arg2: memref<1024x128xf32, #tpu.memory_space<vmem>>, %arg3: memref<1024x1xf32, #tpu.memory_space<vmem>>, %arg4: memref<128x128xf32, #tpu.memory_space<vmem>>, %arg5: memref<1024x128xf32, #tpu.memory_space<vmem>>) attributes {dimension_semantics = [#tpu.dimension_semantics<arbitrary>], iteration_bounds = array<i64: 10>, scalar_prefetch = 0 : i64, scratch_operands = 0 : i64, tpu.core_type = #tpu.core_type<tc>, window_params = [{transform_indices = @transform_0, window_bounds = array<i64: 1024, 128>}, {transform_indices = @transform_1, window_bounds = array<i64: 1024, 128>}, {transform_indices = @transform_2, window_bounds = array<i64: 1024, 1>}, {pipeline_mode = #tpu.pipeline_mode<synchronous>, transform_indices = @transform_3, window_bounds = array<i64: 128, 128>}, {transform_indices = @transform_4, window_bounds = array<i64: 1024, 128>}]} {
    %get3A = arith.constant 0 : index
    %get3A_0 = arith.constant 0 : index
    %get3A_1 = vector.load %arg1[%get3A, %get3A_0] : memref<1024x128xf32, #tpu.memory_space<vmem>>, vector<1024x128xf32>
    %get3A_2 = arith.constant 0 : index
    %get3A_3 = arith.constant 0 : index
    %get3A_4 = vector.load %arg2[%get3A_2, %get3A_3] : memref<1024x128xf32, #tpu.memory_space<vmem>>, vector<1024x128xf32>
    %add3A = arith.addf %get3A_1, %get3A_4 : vector<1024x128xf32>
    %get3A_5 = arith.constant 0 : index
    %get3A_6 = arith.constant 0 : index
    %get3A_7 = vector.load %arg3[%get3A_5, %get3A_6] : memref<1024x1xf32, #tpu.memory_space<vmem>>, vector<1024x1xf32>
    %mul3A = vector.broadcast %get3A_7 : vector<1024x1xf32> to vector<1024x128xf32>
    %mul3A_8 = arith.mulf %add3A, %mul3A : vector<1024x128xf32>
    %get3A_9 = arith.constant 0 : index
    %get3A_10 = arith.constant 0 : index
    %get3A_11 = vector.load %arg4[%get3A_9, %get3A_10] : memref<128x128xf32, #tpu.memory_space<vmem>>, vector<128x128xf32>
    %dot_general3A = arith.constant dense<0.000000e+00> : vector<1024x128xf32>
    %dot_general3A_12 = tpu.matmul %mul3A_8, %get3A_11, %dot_general3A {dimension_numbers = #tpu.dot_dimension_numbers<[1], [1], [0], [0], [0, 0, 1, 0], [], []>, transpose_lhs_hint = false} : vector<1024x128xf32>, vector<128x128xf32>, vector<1024x128xf32> -> vector<1024x128xf32>
    %swap3A = arith.constant 0 : index
    %swap3A_13 = arith.constant 0 : index
    %swap3A_14 = vector.load %arg5[%swap3A, %swap3A_13] : memref<1024x128xf32, #tpu.memory_space<vmem>>, vector<1024x128xf32>
    tpu.vector_store %arg5[%swap3A, %swap3A_13], %dot_general3A_12 {strides = array<i32>} : memref<1024x128xf32, #tpu.memory_space<vmem>>, vector<1024x128xf32>,
    return
  }
  func.func @transform_0(%arg0: i32) -> (i32, i32) {
    %c0_i32 = arith.constant 0 : i32
    %c0_i32_0 = arith.constant 0 : i32
    return %arg0, %c0_i32 : i32, i32
  }
  func.func @transform_1(%arg0: i32) -> (i32, i32) {
    %c0_i32 = arith.constant 0 : i32
    %c0_i32_0 = arith.constant 0 : i32
    return %arg0, %c0_i32 : i32, i32
  }
  func.func @transform_2(%arg0: i32) -> (i32, i32) {
    %c0_i32 = arith.constant 0 : i32
    %c0_i32_0 = arith.constant 0 : i32
    return %arg0, %c0_i32 : i32, i32
  }
  func.func @transform_3(%arg0: i32) -> (i32, i32) {
    %c0_i32 = arith.constant 0 : i32
    %c0_i32_0 = arith.constant 0 : i32
    %c0_i32_1 = arith.constant 0 : i32
    return %c0_i32, %c0_i32_0 : i32, i32
  }
  func.func @transform_4(%arg0: i32) -> (i32, i32) {
    %c0_i32 = arith.constant 0 : i32
    %c0_i32_0 = arith.constant 0 : i32
    return %arg0, %c0_i32 : i32, i32
  }
}

</mosaic_0001>

<sc_bundles>
// kernel: kernel.6.cloned.1.call-start
scs
__scs_entry_jumppad:
0x0: {  	(pc) =	sbr.rel $0x88, $3  }
0x1: {  	(tag) =	ssettag $0x0;
	lr =	simm.s32 $0x1  }
0x2: {  	[smem:$0x3F9E] =	sst lr;
	_ =	strace $0xD0000000  }
0x3: {  	_ = 	snop  }
0x4: {  	_ = 	snop  }
0x5: {  	_ = 	snop  }
0x6: {  	_ = 	snop  }
0x7: {  	_ = 	snop  }
__scs_overlays_trampoline_lowered:
0x8: {  	[smem:$0x3FAD] =	sst s0  }
0x9: {  	[smem:$0x3FAE] =	sst s1  }
0xa: {  	[smem:$0x3FAF] =	sst s2  }
0xb: {  	[smem:$0x3FB0] =	sst s3  }
0xc: {  	[smem:$0x3FB1] =	sst s4  }
0xd: {  	[smem:$0x3FB2] =	sst s5  }
0xe: {  	[smem:$0x3FB3] =	sst s6  }
0xf: {  	[smem:$0x3FB4] =	sst s7  }
0x10: {  	[smem:$0x3FB5] =	sst s8  }
0x11: {  	[smem:$0x3FB6] =	sst s9;
	s0 =	simm.s32 @!p0 $0x0  }
0x12: {  	s1 =	sld [smem:$0x3F9C];
	s0 =	simm.s32 @p0 $0x1  }
0x13: {  	[smem:$0x3FB7] =	sst s0;
	s0 =	simm.s32 @!p1 $0x0  }
0x14: {  	s2 =	sld [smem:$0x3F9B];
	s0 =	simm.s32 @p1 $0x1  }
0x15: {  	[smem:$0x3FB8] =	sst s0;
	s0 =	simm.s32 @!p2 $0x0  }
0x16: {  	s3 =	sld [smem:$0x3FDB];
	s0 =	simm.s32 @p2 $0x1  }
0x17: {  	s4 =	simm.s32 $0x1BF5;
	[smem:$0x3FBA] =	sst s0  }
0x18: {  	s0 =	sld [smem:$0x3F9D];
	_ =	swait.ge [sflag:s4], $0x0  }
0x19: {  	s7 =	sld [smem:$0x3F9E]  }
0x1a: {  	s8 =	sadd.s32 $0xFFFFE003, lr  }
0x1b: {  	s9 =	sadd.s32 $0xFFFFFEF7, lr;
	s5 =	simm.s32 $0xFFFFFFFF;
	p2 =	slt.u32 s8, $0xFFFFF086  }
0x1c: {  	p1 =	slt.u32 s9, $0xF7A;
	s5 =	simm.s32 @!p2 $0x0  }
0x1d: {  	s5 =	simm.s32 @p1 $0x1;
	p0 =	seq.s32 s7, s2  }
0x1e: {  	s7 =	smul.u32 @!p0 $0xF7A, s2;
	p2 =	seq.s32 @!p0 s5, $0x0  }
0x1f: {  	s9 =	smul.u32 $0xF7A, s1;
	s8 =	simm.s32 @!p0 $0x1BF5;
	p2 =	por !p2, p0  }
0x20: {  	[sflag:s8] =	ssyncset.s32 @!p0 $0xFFFFF086;
	s6 =	sadd.s32 @!p0 s3, s7;
	s7 =	simm.s32 @!p0 $0x108  }
0x21: {  	s3 =	sadd.s32 s3, s9;
	s6 =	sadd.s32 @!p0 $0x88, s6;
	s7 =	simm.s32 @p2 $0x1082  }
0x22: {  	[simem:s7], [sflag:s8] =	dma.local @!p0 [hbm:s6], $0xF7A  }
0x23: {  	s9 =	sor.u32 $0xD0000000, s2;
	s6 =	simm.s32 $0x108;
	_ =	swait.ge @!p0 [sflag:s8], $0x0  }
0x24: {  	s3 =	sadd.s32 $0x88, s3;
	s6 =	simm.s32 @!p1 $0x1082;
	[sflag:s4] =	ssyncset.s32 $0xFFFFF086  }
0x25: {  	[simem:s6], [sflag:s4] =	dma.local [hbm:s3], $0xF7A  }
0x26: {  	[smem:$0x3F9E] =	sst s1;
	(tag) =	ssettag s2;
	_ =	strace s9  }
0x27: {  	s1 =	sld [smem:$0x3FAE]  }
0x28: {  	s2 =	sld [smem:$0x3FAF]  }
0x29: {  	s4 =	sld [smem:$0x3FB1]  }
0x2a: {  	p0 =	seq.s32 s5, $0x0;
	s5 =	sld [smem:$0x3FB2]  }
0x2b: {  	s6 =	sld [smem:$0x3FB3]  }
0x2c: {  	s7 =	sld [smem:$0x3FB4]  }
0x2d: {  	s3 =	simm.s32 $0x108;
	s8 =	sld [smem:$0x3FB5]  }
0x2e: {  	s3 =	simm.s32 @!p0 $0x1082;
	s9 =	sld [smem:$0x3FB6]  }
0x2f: {  	lr =	sadd.s32 s0, s3;
	s0 =	sld [smem:$0x3FAD]  }
0x30: {  	s3 =	sld [smem:$0x3FB0]  }
0x31: {  	[smem:$0x3FB9] =	sst s10  }
0x32: {  	s10 =	sld [smem:$0x3FB7];
	_ =	sdelay $0x3  }
0x33: {  	p0 =	seq.s32 s10, $0x1;
	s10 =	sld [smem:$0x3FB9];
	_ =	sdelay $0x3  }
0x34: {  	[smem:$0x3FB9] =	sst s10  }
0x35: {  	s10 =	sld [smem:$0x3FB8];
	_ =	sdelay $0x3  }
0x36: {  	p1 =	seq.s32 s10, $0x1;
	s10 =	sld [smem:$0x3FB9];
	_ =	sdelay $0x3  }
0x37: {  	[smem:$0x3FB9] =	sst s10  }
0x38: {  	s10 =	sld [smem:$0x3FBA]  }
0x39: {  	_ = 	snop;
	(pc) =	sbr.ind lr, $3  }
0x3a: {  	_ = 	snop  }
0x3b: {  	_ = 	snop  }
0x3c: {  	p2 =	seq.s32 s10, $0x1;
	s10 =	sld [smem:$0x3FB9]  }
0x3d: {  	_ =	shalt  }
0x3e: {  	_ =	shalt  }
0x3f: {  	_ =	shalt  }
0x40: {  	_ =	shalt  }
0x41: {  	_ =	shalt  }
0x42: {  	_ =	shalt  }
0x43: {  	_ =	shalt  }
0x44: {  	_ =	shalt  }
0x45: {  	_ =	shalt  }
0x46: {  	_ =	shalt  }
0x47: {  	_ =	shalt  }
0x48: {  	_ =	shalt  }
0x49: {  	_ =	shalt  }
0x4a: {  	_ =	shalt  }
0x4b: {  	_ =	shalt  }
0x4c: {  	_ =	shalt  }
0x4d: {  	_ =	shalt  }
0x4e: {  	_ =	shalt  }
0x4f: {  	_ =	shalt  }
0x50: {  	_ =	shalt  }
0x51: {  	_ =	shalt  }
0x52: {  	_ =	shalt  }
0x53: {  	_ =	shalt  }
0x54: {  	_ =	shalt  }
0x55: {  	_ =	shalt  }
0x56: {  	_ =	shalt  }
0x57: {  	_ =	shalt  }
0x58: {  	_ =	shalt  }
0x59: {  	_ =	shalt  }
0x5a: {  	_ =	shalt  }
0x5b: {  	_ =	shalt  }
0x5c: {  	_ =	shalt  }
0x5d: {  	_ =	shalt  }
0x5e: {  	_ =	shalt  }
0x5f: {  	_ =	shalt  }
0x60: {  	_ =	shalt  }
0x61: {  	_ =	shalt  }
0x62: {  	_ =	shalt  }
0x63: {  	_ =	shalt  }
0x64: {  	_ =	shalt  }
0x65: {  	_ =	shalt  }
0x66: {  	_ =	shalt  }
0x67: {  	_ =	shalt  }
0x68: {  	_ =	shalt  }
0x69: {  	_ =	shalt  }
0x6a: {  	_ =	shalt  }
0x6b: {  	_ =	shalt  }
0x6c: {  	_ =	shalt  }
0x6d: {  	_ =	shalt  }
0x6e: {  	_ =	shalt  }
0x6f: {  	_ =	shalt  }
0x70: {  	_ =	shalt  }
0x71: {  	_ =	shalt  }
0x72: {  	_ =	shalt  }
0x73: {  	_ =	shalt  }
0x74: {  	_ =	shalt  }
0x75: {  	_ =	shalt  }
0x76: {  	_ =	shalt  }
0x77: {  	_ =	shalt  }
0x78: {  	_ =	shalt  }
0x79: {  	_ =	shalt  }
0x7a: {  	_ =	shalt  }
0x7b: {  	_ =	shalt  }
0x7c: {  	_ =	shalt  }
0x7d: {  	_ =	shalt  }
0x7e: {  	_ =	shalt  }
0x7f: {  	_ =	shalt  }
0x80: {  	_ =	shalt  }
0x81: {  	_ =	shalt  }
0x82: {  	_ =	shalt  }
0x83: {  	_ =	shalt  }
0x84: {  	_ =	shalt  }
0x85: {  	_ =	shalt  }
0x86: {  	_ =	shalt  }
0x87: {  	_ =	shalt  }
.Lfunc_end0:
.L_simem_size_0:
called_computation_lowered:
.L_overlay_start_0:
0x88: {  	s2 =	sld [smem:$0x3FD9]  }
0x89: {  	s3 =	sld [smem:$0x3FFE];
	_ =	sdelay $0x1  }
0x8a: {  	s1 =	srdreg.scid  }
0x8b: {  	s0 =	sand.u32 $0x1, s1  }
0x8c: {  	s16 =	sshll.u32 s0, $0xA;
	s2 =	sadd.s32 s3, s2  }
0x8d: {  	s2 =	sadd.s32 s2, s16  }
0x8e: {  	[smem:$0x3FC5] =	sst s2  }
0x8f: {  	_ = 	snop  }
0x90: {  	(tm) =	ssettm $0x1  }
0x91: {  	s17 =	sld [smem:$0x3FFB];
	_ =	sdelay $0x3  }
0x92: {  	_ =	strace s17  }
0x93: {  	s2 =	sld [smem:$0x3FFC];
	_ =	sdelay $0x3  }
0x94: {  	_ =	strace s2  }
0x95: {  	s2 =	sld [smem:$0x3FFD];
	_ =	sdelay $0x3  }
0x96: {  	_ =	strace s2  }
0x97: {  	_ =	strace $0x8FFFFFFF  }
0x98: {  	s18 =	sld [smem:$0x3FDB];
	_ =	sdelay $0x1  }
0x99: {  	s19 =	simm.s32 $_scs_section_size  }
0x9a: {  	s4 =	simm.s32 $_size__tile_overlayer_lowered;
	s5 =	simm.s32 $_tile_overlayer_lowered  }
0x9b: {  	s22 =	simm.s32 $0x1BFF;
	s21 =	sshll.u32 s5, $0x1;
	s2 =	sadd.s32 s19, s18  }
0x9c: {  	s6 =	simm.s32 $0x0;
	s20 =	sshll.u32 s4, $0x1;
	s4 =	sadd.s32 s21, s2  }
0x9d: {  	[timem:s6], [sflag:s22] =	dma.local [hbm:s4], s20  }
0x9e: {  	_ =	swait.ge [sflag:s22], s20  }
0x9f: {  	s3 =	ssub.s32 $0x0, s20;
	[sflag:s22] =	ssyncset.done $0x0  }
0xa0: {  	[sflag:s22] =	ssyncadd.s32 s3;
	_ =	sdelay $0x1  }
0xa1: {  	s23 =	simm.s32 $0x1B8B  }
0xa2: {  	_ =	swait.ge [sflag:s23], $0x1  }
0xa3: {  	[sflag:s23] =	ssyncset.done $0x0  }
0xa4: {  	s25 =	simm.s32 $0x1B8E;
	s24 =	sld [smem:$0x3FFE];
	[sflag:s23] =	ssyncadd.s32 $0xFFFFFFFF  }
0xa5: {  	s26 =	simm.s32 $execute0_lowered;
	[smem:$0x3FD2] =	sst s25  }
0xa6: {  	s4 =	sshll.u32 s26, $0x1;
	_ =	strace $0x80000046;
	[dreg:$0x1] =	wrdreg $0xFFFFFFFF  }
0xa7: {  	s28 =	simm.s32 $_size_execute0_lowered;
	s2 =	sadd.s32 s2, s4;
	[dreg:$0x0] =	wrdreg $0x0  }
0xa8: {  	s4 =	sshll.u32 s28, $0x1;
	[dreg:$0x2] =	wrdreg s2  }
0xa9: {  	[dreg:$0x3] =	wrdreg s4  }
0xaa: {  	[dreg:$0x4] =	wrdreg $0xC0  }
0xab: {  	_ =	task [dreg:s6], $0x5FFFF  }
0xac: {  	[dreg:$0x1] =	wrdreg $0xFFFFFFFF  }
0xad: {  	[dreg:$0x0] =	wrdreg $0x60  }
0xae: {  	[dreg:$0x2] =	wrdreg s24  }
0xaf: {  	[dreg:$0x3] =	wrdreg $0x2B000  }
0xb0: {  	[dreg:$0x4] =	wrdreg $0x9  }
0xb1: {  	_ =	task.clear_ibuf [dreg:s6], $0x5FFFF;
	_ =	strace $0x90000046  }
0xb2: {  	s29 =	simm.s32 $0x9;
	_ =	strace $0x80000048  }
0xb3: {  	_ =	swait.ge [sflag:s29], $0x1  }
0xb4: {  	[sflag:s29] =	ssyncadd.s32 $0xFFFFFFFF  }
0xb5: {  	_ =	strace $0x90000048  }
0xb6: {  	_ =	sfence  }
0xb7: {  	s30 =	sld [smem:$0x0];
	_ =	sdelay $0x2  }
0xb8: {  	s31 =	sshll.u32 s1, $0xD;
	s1 =	sshrl.u32 s1, $0x2  }
0xb9: {  	s3 =	sand.u32 $0x4000, s31;
	s1 =	sadd.s32 s1, s30  }
0xba: {  	s0 =	sor.u32 s3, s0;
	s1 =	sshll.u32 s1, $0x11  }
0xbb: {  	s0 =	sor.u32 s1, s0  }
0xbc: {  	s0 =	sadd.s32 $0x8F2B, s0  }
0xbd: {  	[sflag:s0] =	ssyncadd.remote.s32 $0x1  }
0xbe: {  	_ =	sfence.sel $0xFFFF  }
0xbf: {  	[dreg:$0x0] =	wrdreg $0xFFFFFFFF;
	(pc) =	sbr.abs _section_cstart, $3  }
0xc0: {  	[dreg:$0x1] =	wrdreg $0xFFFFFFFF  }
0xc1: {  	_ =	task.clear_ibuf [dreg:s6], $0x2FFFF;
	_ =	strace $0x9FFFFFFF  }
0xc2: {  	(tm) =	ssettm $0x7FFFFFFF  }
0xc3: {  	_ =	shalt  }
tec
execute0_lowered:
.L_overlay_start_1:
0x0: {  	(tag) =	ssettag $0x1  }
0x1: {  	s1 =	srdreg.scid  }
0x2: {  	s0 =	stileid.u32;
	s4 =	rddreg [dreg:$0x0]  }
0x3: {  	s2 =	rddreg [dreg:$0x1];
	s3 =	simm.s32 $0x0;
	s10 =	simm.s32 $0x80  }
0x4: {  	s11 =	simm.s32 $0x2A80;
	s12 =	simm.s32 $0x1;
	s13 =	simm.s32 $0x2  }
0x5: {  	s16 =	simm.s32 $0x20;
	s17 =	simm.s32 $0x10;
	s18 =	simm.s32 $0x0  }
0x6: {  	s5 =	sand.u32 $0x1, s1;
	s1 =	rddreg [dreg:$0x2];
	s7 =	smul.u32 $0x500, s0  }
0x7: {  	s30 =	sshll.u32 s0, $0x1;
	[smem:$0x7FF] =	sst s3;
	s9 =	smul.u32 $0xA00, s0  }
0x8: {  	s14 =	sshll.u32 s0, $0x6;
	s6 =	sor.u32 s5, s30;
	_ =	strace $0x80000047  }
0x9: {  	s8 =	sshll.u32 s5, $0x7;
	s5 =	ssub.s32 $0x2, s5;
	s14 =	sor.u32 $0x1C03, s14  }
0xa: {  	s6 =	smul.u32 $0x500, s6;
	s7 =	sor.u32 s8, s7;
	s31 =	sshrl.u32 s5, $0x1  }
0xb: {  	s9 =	sshrl.u32 s9, $0x2;
	s7 =	sshrl.u32 s7, $0x3;
	s8 =	ssub.s32 s5, s31  }
0xc: {  	s6 =	sadd.s32 s6, s4;
	s7 =	sadd.s32 s7, s4;
	s4 =	sadd.s32 s9, s2  }
0xd: {  	s9 =	simm.s32 $0x3;
	s5 =	sadd.s32 $0x1600, s6;
	s6 =	sadd.s32 $0xB600, s7  }
0xe: {  	v0 =	vimm.f32 $0.0e+00;
	v1 =	vimm.f32 $1.000000000e+00;
	s7 =	smax.u32 s8, $0x1;
	s8 =	simm.s32 $0x2800;
	s15 =	sshrl.u32 s4, $0x3  }
.LBB2_1:
0xf: {  	[tilespmem:$0x2800] =	vst v0  }
0x10: {  	[tilespmem:$0x2810] =	vst v0  }
0x11: {  	[tilespmem:$0x2820] =	vst v0  }
0x12: {  	[tilespmem:$0x2830] =	vst v0  }
0x13: {  	[tilespmem:$0x2840] =	vst v0  }
0x14: {  	[tilespmem:$0x2850] =	vst v0  }
0x15: {  	[tilespmem:$0x2860] =	vst v0  }
0x16: {  	[tilespmem:$0x2870] =	vst v0  }
0x17: {  	[tilespmem:$0x2880] =	vst v0  }
0x18: {  	[tilespmem:$0x2890] =	vst v0  }
0x19: {  	[tilespmem:$0x28A0] =	vst v0  }
0x1a: {  	[tilespmem:$0x28B0] =	vst v0  }
0x1b: {  	[tilespmem:$0x28C0] =	vst v0  }
0x1c: {  	[tilespmem:$0x28D0] =	vst v0  }
0x1d: {  	[tilespmem:$0x28E0] =	vst v0  }
0x1e: {  	[tilespmem:$0x28F0] =	vst v0  }
0x1f: {  	[tilespmem:$0x2900] =	vst v0  }
0x20: {  	[tilespmem:$0x2910] =	vst v0  }
0x21: {  	[tilespmem:$0x2920] =	vst v0  }
0x22: {  	[tilespmem:$0x2930] =	vst v0  }
0x23: {  	[tilespmem:$0x2940] =	vst v0  }
0x24: {  	[tilespmem:$0x2950] =	vst v0  }
0x25: {  	[tilespmem:$0x2960] =	vst v0  }
0x26: {  	[tilespmem:$0x2970] =	vst v0  }
0x27: {  	[tilespmem:$0x2980] =	vst v0  }
0x28: {  	[tilespmem:$0x2990] =	vst v0  }
0x29: {  	[tilespmem:$0x29A0] =	vst v0  }
0x2a: {  	[tilespmem:$0x29B0] =	vst v0  }
0x2b: {  	[tilespmem:$0x29C0] =	vst v0  }
0x2c: {  	[tilespmem:$0x29D0] =	vst v0  }
0x2d: {  	[tilespmem:$0x29E0] =	vst v0  }
0x2e: {  	[tilespmem:$0x29F0] =	vst v0  }
0x2f: {  	[tilespmem:$0x2A00] =	vst v0  }
0x30: {  	[tilespmem:$0x2A10] =	vst v0  }
0x31: {  	[tilespmem:$0x2A20] =	vst v0  }
0x32: {  	[tilespmem:$0x2A30] =	vst v0  }
0x33: {  	[tilespmem:$0x2A40] =	vst v0  }
0x34: {  	[tilespmem:$0x2A50] =	vst v0  }
0x35: {  	[tilespmem:$0x2A60] =	vst v0  }
0x36: {  	[tilespmem:$0x2A70] =	vst v0  }
0x37: {  	[tilespmem:$0x2A80] =	vst v1  }
0x38: {  	[tilespmem:$0x2A90] =	vst v1  }
0x39: {  	[tilespmem:$0x2AA0] =	vst v1  }
0x3a: {  	[tilespmem:$0x2AB0] =	vst v1  }
0x3b: {  	[tilespmem:$0x2AC0] =	vst v1  }
0x3c: {  	[tilespmem:$0x2AD0] =	vst v1  }
0x3d: {  	[tilespmem:$0x2AE0] =	vst v1  }
0x3e: {  	[tilespmem:$0x2AF0] =	vst v1  }
0x3f: {  	[spmem:s4] =	stream.linear.scatter [tilespmem:s8], [sflag:$0x3], $0x280, $0x38;
	[tilespmem:$0x2D80] =	vst v63  }
0x40: {  	_ =	swait.ge [sflag:s9], $0x280  }
0x41: {  	[sflag:s9] =	ssyncset.done $0x0  }
0x42: {  	[sflag:s9] =	ssyncadd.s32 $0xFFFFFD80  }
0x43: {  	[tilespmem:s3], [sflag:$0x3] =	stream.linear.gather [hbm4b:s5+s3], $0x2800, $0x38;
	[tilespmem:$0x2D80] =	vst v63  }
0x44: {  	_ =	swait.ge [sflag:s9], $0x2800  }
0x45: {  	[sflag:s9] =	ssyncset.done $0x0  }
0x46: {  	[sflag:s9] =	ssyncadd.s32 $0xFFFFD800  }
0x47: {  	[bflag:$0x0] =	sbarrier.arrive $0xFFFF  }
0x48: {  	[spmem:s2] =	stream.indirect.scatter.add.f32 [tilespmem:s11], [sflag:$0x1], $0x1, s3, s10, $0xb8;
	[tilespmem:$0x2D80] =	vst v63  }
0x49: {  	_ = 	snop  }
0x4a: {  	[spmem:s2] =	stream.indirect.scatter.add.f32 [tilespmem:s11], [sflag:$0x2], $0x1, s10, s10, $0xb8;
	[tilespmem:$0x2D80] =	vst v63  }
0x4b: {  	_ =	swait.ge [sflag:s12], $0x80  }
0x4c: {  	[sflag:s12] =	ssyncset.done $0x0  }
0x4d: {  	s19 =	simm.s32 $0x100;
	[sflag:s12] =	ssyncadd.s32 $0xFFFFFF80  }
0x4e: {  	[spmem:s2] =	stream.indirect.scatter.add.f32 [tilespmem:s11], [sflag:$0x1], $0x1, s19, s10, $0xb8;
	[tilespmem:$0x2D80] =	vst v63  }
0x4f: {  	_ =	swait.ge [sflag:s13], $0x80  }
0x50: {  	[sflag:s13] =	ssyncset.done $0x0  }
0x51: {  	s20 =	simm.s32 $0x180;
	s19 =	simm.s32 $0xFFFF6800;
	[sflag:s13] =	ssyncadd.s32 $0xFFFFFF80  }
.LBB2_2:
0x52: {  	[spmem:s2] =	stream.indirect.scatter.add.f32 [tilespmem:s11], [sflag:$0x2], $0x1, s20, s10, $0xb8;
	[tilespmem:$0x2D80] =	vst v63  }
0x53: {  	s20 =	smov.u32 s19  }
0x54: {  	p0 =	sne.s32 s19, $0xFFFFFC00;
	s19 =	sadd.s32 $0x400, s19;
	_ =	swait.ge [sflag:s12], $0x80  }
0x55: {  	s20 =	sshra.s32 s20, $0x2;
	[sflag:s12] =	ssyncset.done $0x0  }
.Ltmp0:
0x56: {  	s21 =	sadd.s32 $0x2800, s20;
	[sflag:s12] =	ssyncadd.s32 $0xFFFFFF80;
	(pc) =	sbr.rel @p0 .LBB2_2-.Ltmp0, $4  }
0x57: {  	[spmem:s2] =	stream.indirect.scatter.add.f32 [tilespmem:s11], [sflag:$0x1], $0x1, s21, s10, $0xb8;
	[tilespmem:$0x2D80] =	vst v63  }
0x58: {  	_ =	swait.ge [sflag:s13], $0x80  }
0x59: {  	[sflag:s13] =	ssyncset.done $0x0  }
0x5a: {  	s20 =	sadd.s32 $0x2880, s20;
	[sflag:s13] =	ssyncadd.s32 $0xFFFFFF80  }
0x5b: {  	[spmem:s2] =	stream.indirect.scatter.add.f32 [tilespmem:s11], [sflag:$0x2], $0x1, s20, s10, $0xb8;
	[tilespmem:$0x2D80] =	vst v63  }
0x5c: {  	_ =	swait.ge [sflag:s12], $0x80  }
0x5d: {  	[sflag:s12] =	ssyncset.done $0x0  }
0x5e: {  	[sflag:s12] =	ssyncadd.s32 $0xFFFFFF80  }
0x5f: {  	_ =	swait.ge [sflag:s13], $0x80  }
0x60: {  	s18 =	sadd.s32 $0x1, s18;
	[sflag:s13] =	ssyncset.done $0x0  }
0x61: {  	p0 =	sne.s32 s18, s7;
	[sflag:s13] =	ssyncadd.s32 $0xFFFFFF80  }
.Ltmp1:
0x62: {  	[bflag:$0x0] =	sbarrier.arrive $0xFFFF;
	(pc) =	sbr.rel @p0 .LBB2_1-.Ltmp1, $4  }
0x63: {  	[hbm:s6@s16], [sflag:s14] =	dma.strided [spmem:s15@s17], $0x50, s12, $0x10   }
0x64: {  	_ =	swait.ge [sflag:s9], $0x50  }
0x65: {  	[sflag:s9] =	ssyncset.done $0x0  }
0x66: {  	[sflag:s9] =	ssyncadd.s32 $0xFFFFFFB0  }
0x67: {  	_ =	sfence.sel $0x180000  }
0x68: {  	[bflag:$0x0] =	sbarrier.arrive $0xFFFF  }
0x69: {  	p0 =	sne.s32 s0, $0x0;
	_ =	strace $0x90000047  }
0x6a: {  	s0 =	sadd.s32 @!p0 $0x100000, s1;
	[bflag:$0x2] =	sbarrier.arrive $0xFFFF  }
0x6b: {  	[sflag:s0] =	ssyncadd.tile.s32 @!p0 $0x1;
	_ =	shalt  }
.Lfunc_end2:
_tile_overlayer_lowered:
.L_overlay_start_2:
0x6c: {  	(tag) =	ssettag $0x2  }
0x6d: {  	s0 =	rddreg [dreg:$0x0];
	s2 =	stileid.u32  }
0x6e: {  	s1 =	rddreg [dreg:$0x1];
	p0 =	sne.s32 s2, $0x0  }
0x6f: {  	s3 =	rddreg [dreg:$0x2];
	[bflag:$0x3] =	sbarrier.arrive $0xFFFF;
	s2 =	simm.s32 @!p0 $0x1C03  }
0x70: {  	[timem:s3], [sflag:s2] =	dma.local @!p0 [hbm:s0], s1  }
0x71: {  	s0 =	simm.s32 @!p0 $0x3  }
0x72: {  	_ =	swait.ge @!p0 [sflag:s0], s1  }
0x73: {  	s1 =	ssub.s32 @!p0 $0x0, s1;
	[sflag:s0] =	ssyncset.done @!p0 $0x0  }
0x74: {  	[sflag:s0] =	ssyncadd.s32 @!p0 s1  }
0x75: {  	[bflag:$0x3] =	sbarrier.arrive $0xFFFF  }
0x76: {  	_ =	shalt  }

// kernel: kernel.9.cloned.1.call-start
scs
__scs_entry_jumppad:
0x0: {  	(pc) =	sbr.rel $0x88, $3  }
0x1: {  	(tag) =	ssettag $0x0;
	lr =	simm.s32 $0x1  }
0x2: {  	[smem:$0x3F9E] =	sst lr;
	_ =	strace $0xD0000000  }
0x3: {  	_ = 	snop  }
0x4: {  	_ = 	snop  }
0x5: {  	_ = 	snop  }
0x6: {  	_ = 	snop  }
0x7: {  	_ = 	snop  }
__scs_overlays_trampoline_lowered:
0x8: {  	[smem:$0x3FAD] =	sst s0  }
0x9: {  	[smem:$0x3FAE] =	sst s1  }
0xa: {  	[smem:$0x3FAF] =	sst s2  }
0xb: {  	[smem:$0x3FB0] =	sst s3  }
0xc: {  	[smem:$0x3FB1] =	sst s4  }
0xd: {  	[smem:$0x3FB2] =	sst s5  }
0xe: {  	[smem:$0x3FB3] =	sst s6  }
0xf: {  	[smem:$0x3FB4] =	sst s7  }
0x10: {  	[smem:$0x3FB5] =	sst s8  }
0x11: {  	[smem:$0x3FB6] =	sst s9;
	s0 =	simm.s32 @!p0 $0x0  }
0x12: {  	s1 =	sld [smem:$0x3F9C];
	s0 =	simm.s32 @p0 $0x1  }
0x13: {  	[smem:$0x3FB7] =	sst s0;
	s0 =	simm.s32 @!p1 $0x0  }
0x14: {  	s2 =	sld [smem:$0x3F9B];
	s0 =	simm.s32 @p1 $0x1  }
0x15: {  	[smem:$0x3FB8] =	sst s0;
	s0 =	simm.s32 @!p2 $0x0  }
0x16: {  	s3 =	sld [smem:$0x3FDB];
	s0 =	simm.s32 @p2 $0x1  }
0x17: {  	s4 =	simm.s32 $0x1BF5;
	[smem:$0x3FBA] =	sst s0  }
0x18: {  	s0 =	sld [smem:$0x3F9D];
	_ =	swait.ge [sflag:s4], $0x0  }
0x19: {  	s7 =	sld [smem:$0x3F9E]  }
0x1a: {  	s8 =	sadd.s32 $0xFFFFE003, lr  }
0x1b: {  	s9 =	sadd.s32 $0xFFFFFEF7, lr;
	s5 =	simm.s32 $0xFFFFFFFF;
	p2 =	slt.u32 s8, $0xFFFFF086  }
0x1c: {  	p1 =	slt.u32 s9, $0xF7A;
	s5 =	simm.s32 @!p2 $0x0  }
0x1d: {  	s5 =	simm.s32 @p1 $0x1;
	p0 =	seq.s32 s7, s2  }
0x1e: {  	s7 =	smul.u32 @!p0 $0xF7A, s2;
	p2 =	seq.s32 @!p0 s5, $0x0  }
0x1f: {  	s9 =	smul.u32 $0xF7A, s1;
	s8 =	simm.s32 @!p0 $0x1BF5;
	p2 =	por !p2, p0  }
0x20: {  	[sflag:s8] =	ssyncset.s32 @!p0 $0xFFFFF086;
	s6 =	sadd.s32 @!p0 s3, s7;
	s7 =	simm.s32 @!p0 $0x108  }
0x21: {  	s3 =	sadd.s32 s3, s9;
	s6 =	sadd.s32 @!p0 $0x88, s6;
	s7 =	simm.s32 @p2 $0x1082  }
0x22: {  	[simem:s7], [sflag:s8] =	dma.local @!p0 [hbm:s6], $0xF7A  }
0x23: {  	s9 =	sor.u32 $0xD0000000, s2;
	s6 =	simm.s32 $0x108;
	_ =	swait.ge @!p0 [sflag:s8], $0x0  }
0x24: {  	s3 =	sadd.s32 $0x88, s3;
	s6 =	simm.s32 @!p1 $0x1082;
	[sflag:s4] =	ssyncset.s32 $0xFFFFF086  }
0x25: {  	[simem:s6], [sflag:s4] =	dma.local [hbm:s3], $0xF7A  }
0x26: {  	[smem:$0x3F9E] =	sst s1;
	(tag) =	ssettag s2;
	_ =	strace s9  }
0x27: {  	s1 =	sld [smem:$0x3FAE]  }
0x28: {  	s2 =	sld [smem:$0x3FAF]  }
0x29: {  	s4 =	sld [smem:$0x3FB1]  }
0x2a: {  	p0 =	seq.s32 s5, $0x0;
	s5 =	sld [smem:$0x3FB2]  }
0x2b: {  	s6 =	sld [smem:$0x3FB3]  }
0x2c: {  	s7 =	sld [smem:$0x3FB4]  }
0x2d: {  	s3 =	simm.s32 $0x108;
	s8 =	sld [smem:$0x3FB5]  }
0x2e: {  	s3 =	simm.s32 @!p0 $0x1082;
	s9 =	sld [smem:$0x3FB6]  }
0x2f: {  	lr =	sadd.s32 s0, s3;
	s0 =	sld [smem:$0x3FAD]  }
0x30: {  	s3 =	sld [smem:$0x3FB0]  }
0x31: {  	[smem:$0x3FB9] =	sst s10  }
0x32: {  	s10 =	sld [smem:$0x3FB7];
	_ =	sdelay $0x3  }
0x33: {  	p0 =	seq.s32 s10, $0x1;
	s10 =	sld [smem:$0x3FB9];
	_ =	sdelay $0x3  }
0x34: {  	[smem:$0x3FB9] =	sst s10  }
0x35: {  	s10 =	sld [smem:$0x3FB8];
	_ =	sdelay $0x3  }
0x36: {  	p1 =	seq.s32 s10, $0x1;
	s10 =	sld [smem:$0x3FB9];
	_ =	sdelay $0x3  }
0x37: {  	[smem:$0x3FB9] =	sst s10  }
0x38: {  	s10 =	sld [smem:$0x3FBA]  }
0x39: {  	_ = 	snop;
	(pc) =	sbr.ind lr, $3  }
0x3a: {  	_ = 	snop  }
0x3b: {  	_ = 	snop  }
0x3c: {  	p2 =	seq.s32 s10, $0x1;
	s10 =	sld [smem:$0x3FB9]  }
0x3d: {  	_ =	shalt  }
0x3e: {  	_ =	shalt  }
0x3f: {  	_ =	shalt  }
0x40: {  	_ =	shalt  }
0x41: {  	_ =	shalt  }
0x42: {  	_ =	shalt  }
0x43: {  	_ =	shalt  }
0x44: {  	_ =	shalt  }
0x45: {  	_ =	shalt  }
0x46: {  	_ =	shalt  }
0x47: {  	_ =	shalt  }
0x48: {  	_ =	shalt  }
0x49: {  	_ =	shalt  }
0x4a: {  	_ =	shalt  }
0x4b: {  	_ =	shalt  }
0x4c: {  	_ =	shalt  }
0x4d: {  	_ =	shalt  }
0x4e: {  	_ =	shalt  }
0x4f: {  	_ =	shalt  }
0x50: {  	_ =	shalt  }
0x51: {  	_ =	shalt  }
0x52: {  	_ =	shalt  }
0x53: {  	_ =	shalt  }
0x54: {  	_ =	shalt  }
0x55: {  	_ =	shalt  }
0x56: {  	_ =	shalt  }
0x57: {  	_ =	shalt  }
0x58: {  	_ =	shalt  }
0x59: {  	_ =	shalt  }
0x5a: {  	_ =	shalt  }
0x5b: {  	_ =	shalt  }
0x5c: {  	_ =	shalt  }
0x5d: {  	_ =	shalt  }
0x5e: {  	_ =	shalt  }
0x5f: {  	_ =	shalt  }
0x60: {  	_ =	shalt  }
0x61: {  	_ =	shalt  }
0x62: {  	_ =	shalt  }
0x63: {  	_ =	shalt  }
0x64: {  	_ =	shalt  }
0x65: {  	_ =	shalt  }
0x66: {  	_ =	shalt  }
0x67: {  	_ =	shalt  }
0x68: {  	_ =	shalt  }
0x69: {  	_ =	shalt  }
0x6a: {  	_ =	shalt  }
0x6b: {  	_ =	shalt  }
0x6c: {  	_ =	shalt  }
0x6d: {  	_ =	shalt  }
0x6e: {  	_ =	shalt  }
0x6f: {  	_ =	shalt  }
0x70: {  	_ =	shalt  }
0x71: {  	_ =	shalt  }
0x72: {  	_ =	shalt  }
0x73: {  	_ =	shalt  }
0x74: {  	_ =	shalt  }
0x75: {  	_ =	shalt  }
0x76: {  	_ =	shalt  }
0x77: {  	_ =	shalt  }
0x78: {  	_ =	shalt  }
0x79: {  	_ =	shalt  }
0x7a: {  	_ =	shalt  }
0x7b: {  	_ =	shalt  }
0x7c: {  	_ =	shalt  }
0x7d: {  	_ =	shalt  }
0x7e: {  	_ =	shalt  }
0x7f: {  	_ =	shalt  }
0x80: {  	_ =	shalt  }
0x81: {  	_ =	shalt  }
0x82: {  	_ =	shalt  }
0x83: {  	_ =	shalt  }
0x84: {  	_ =	shalt  }
0x85: {  	_ =	shalt  }
0x86: {  	_ =	shalt  }
0x87: {  	_ =	shalt  }
.Lfunc_end0:
.L_simem_size_0:
called_computation.1_lowered:
.L_overlay_start_0:
0x88: {  	s2 =	sld [smem:$0x3FD9]  }
0x89: {  	s3 =	sld [smem:$0x3FFE];
	_ =	sdelay $0x1  }
0x8a: {  	s1 =	srdreg.scid  }
0x8b: {  	s0 =	sand.u32 $0x1, s1  }
0x8c: {  	s17 =	sshll.u32 s0, $0xA;
	s2 =	sadd.s32 s3, s2  }
0x8d: {  	s2 =	sadd.s32 s2, s17  }
0x8e: {  	[smem:$0x3FC5] =	sst s2  }
0x8f: {  	_ = 	snop  }
0x90: {  	s2 =	sld [smem:$0x3FD0];
	(tm) =	ssettm $0x1  }
0x91: {  	s18 =	sld [smem:$0x3FFB];
	_ =	sdelay $0x3  }
0x92: {  	_ =	strace s18  }
0x93: {  	s3 =	sld [smem:$0x3FFC];
	_ =	sdelay $0x3  }
0x94: {  	_ =	strace s3  }
0x95: {  	s3 =	sld [smem:$0x3FFD];
	_ =	sdelay $0x3  }
0x96: {  	_ =	strace s3  }
0x97: {  	_ =	strace $0x8FFFFFFF  }
0x98: {  	s19 =	sld [smem:$0x3FDB];
	_ =	sdelay $0x1  }
0x99: {  	s4 =	simm.s32 $_scs_section_size  }
0x9a: {  	s5 =	simm.s32 $_size__tile_overlayer_lowered;
	s6 =	simm.s32 $_tile_overlayer_lowered  }
0x9b: {  	s22 =	simm.s32 $0x1BFF;
	s21 =	sshll.u32 s6, $0x1;
	s3 =	sadd.s32 s4, s19  }
0x9c: {  	s7 =	simm.s32 $0x0;
	s20 =	sshll.u32 s5, $0x1;
	s5 =	sadd.s32 s21, s3  }
0x9d: {  	[timem:s7], [sflag:s22] =	dma.local [hbm:s5], s20  }
0x9e: {  	_ =	swait.ge [sflag:s22], s20  }
0x9f: {  	s4 =	ssub.s32 $0x0, s20;
	[sflag:s22] =	ssyncset.done $0x0  }
0xa0: {  	[sflag:s22] =	ssyncadd.s32 s4;
	_ =	sdelay $0x1  }
0xa1: {  	s23 =	simm.s32 $0x1B8B  }
0xa2: {  	_ =	swait.ge [sflag:s23], $0x1  }
0xa3: {  	[sflag:s23] =	ssyncset.done $0x0  }
0xa4: {  	s25 =	simm.s32 $0x1B8E;
	s24 =	sld [smem:$0x3FFE];
	[sflag:s23] =	ssyncadd.s32 $0xFFFFFFFF  }
0xa5: {  	s26 =	simm.s32 $execute0_lowered;
	[smem:$0x3FD2] =	sst s25  }
0xa6: {  	s5 =	sshll.u32 s26, $0x1;
	_ =	strace $0x80000049;
	[dreg:$0x1] =	wrdreg $0xFFFFFFFF  }
0xa7: {  	s28 =	simm.s32 $_size_execute0_lowered;
	s3 =	sadd.s32 s3, s5;
	[dreg:$0x0] =	wrdreg $0x0  }
0xa8: {  	s5 =	sshll.u32 s28, $0x1;
	[dreg:$0x2] =	wrdreg s3  }
0xa9: {  	[dreg:$0x3] =	wrdreg s5  }
0xaa: {  	[dreg:$0x4] =	wrdreg $0xC0  }
0xab: {  	_ =	task [dreg:s7], $0x5FFFF  }
0xac: {  	[dreg:$0x1] =	wrdreg $0xFFFFFFFF  }
0xad: {  	[dreg:$0x0] =	wrdreg $0x60  }
0xae: {  	[dreg:$0x2] =	wrdreg s24  }
0xaf: {  	[dreg:$0x3] =	wrdreg s2  }
0xb0: {  	[dreg:$0x4] =	wrdreg $0xB8000  }
0xb1: {  	[dreg:$0x5] =	wrdreg $0x9  }
0xb2: {  	_ =	task.clear_ibuf [dreg:s7], $0x6FFFF;
	_ =	strace $0x90000049  }
0xb3: {  	s29 =	simm.s32 $0x9;
	_ =	strace $0x8000004B  }
0xb4: {  	_ =	swait.ge [sflag:s29], $0x1  }
0xb5: {  	[sflag:s29] =	ssyncadd.s32 $0xFFFFFFFF  }
0xb6: {  	_ =	strace $0x9000004B  }
0xb7: {  	_ =	sfence  }
0xb8: {  	s30 =	sld [smem:$0x0];
	_ =	sdelay $0x2  }
0xb9: {  	s31 =	sshll.u32 s1, $0xD;
	s1 =	sshrl.u32 s1, $0x2  }
0xba: {  	s3 =	sand.u32 $0x4000, s31;
	s1 =	sadd.s32 s1, s30  }
0xbb: {  	s0 =	sor.u32 s3, s0;
	s1 =	sshll.u32 s1, $0x11  }
0xbc: {  	s0 =	sor.u32 s1, s0  }
0xbd: {  	s0 =	sadd.s32 $0x8F2B, s0  }
0xbe: {  	[sflag:s0] =	ssyncadd.remote.s32 $0x1  }
0xbf: {  	_ =	sfence.sel $0xFFFF  }
0xc0: {  	[dreg:$0x0] =	wrdreg $0xFFFFFFFF;
	(pc) =	sbr.abs _section_cstart, $3  }
0xc1: {  	[dreg:$0x1] =	wrdreg $0xFFFFFFFF  }
0xc2: {  	_ =	task.clear_ibuf [dreg:s7], $0x2FFFF;
	_ =	strace $0x9FFFFFFF  }
0xc3: {  	(tm) =	ssettm $0x7FFFFFFF  }
tec
execute0_lowered:
.L_overlay_start_1:
0x0: {  	(tag) =	ssettag $0x1  }
0x1: {  	s0 =	rddreg [dreg:$0x0]  }
0x2: {  	s1 =	rddreg [dreg:$0x1]  }
0x3: {  	s2 =	rddreg [dreg:$0x2]  }
0x4: {  	s3 =	srdreg.scid;
	s13 =	stileid.u32  }
0x5: {  	s28 =	simm.s32 $0x1;
	s29 =	simm.s32 $0x3;
	s10 =	smul.u32 $0x14000, s13  }
0x6: {  	s30 =	simm.s32 $0x2;
	s31 =	simm.s32 $0x4;
	s18 =	smul.u32 $0x50000, s13  }
0x7: {  	s6 =	sand.u32 $0x1, s3;
	s4 =	sshrl.u32 s13, $0x2;
	s12 =	smul.u32 $0x2800, s13  }
0x8: {  	s16 =	sshll.u32 s13, $0x1;
	s3 =	simm.s32 $0x0;
	s5 =	smul.u32 $0x14000, s4  }
0x9: {  	s26 =	sshll.u32 s13, $0x6;
	s8 =	sor.u32 s6, s16;
	s7 =	smul.u32 $0x140000, s6  }
0xa: {  	[smem:$0x7FF] =	sst s3;
	s4 =	sadd.s32 $0x16000, s0;
	s21 =	ssub.s32 $0x2, s6  }
0xb: {  	p0 =	sne.s32 s6, $0x0;
	s17 =	sshll.u32 s8, $0x7;
	_ =	strace $0x8000004A  }
0xc: {  	s11 =	sshrl.u32 s21, $0x1;
	s22 =	sadd.s32 s4, s12;
	s8 =	sshll.u32 s8, $0xB  }
0xd: {  	s9 =	sand.u32 $0x380, s17;
	s7 =	sadd.s32 s10, s7;
	s11 =	ssub.s32 s21, s11  }
0xe: {  	[dreg:$0x4] =	wrdreg s22;
	s8 =	sadd.s32 s1, s8;
	s21 =	simm.s32 $0x80  }
0xf: {  	s22 =	simm.s32 $0x400;
	s1 =	simm.s32 $0x6780;
	s5 =	sor.u32 s5, s9  }
0x10: {  	s20 =	sshrl.u32 s7, $0x3;
	s9 =	sshrl.u32 s18, $0x2;
	s10 =	smax.u32 s11, $0x1  }
0x11: {  	s18 =	sor.u32 $0x1C05, s26;
	s26 =	simm.s32 $0x9000;
	s5 =	sshrl.u32 s5, $0x3  }
0x12: {  	s19 =	sadd.s32 s5, s0;
	s0 =	sadd.s32 s20, s0;
	s5 =	sadd.s32 s9, s2  }
0x13: {  	s20 =	simm.s32 $0x5;
	s7 =	sadd.s32 $0xC000, s19;
	s9 =	sadd.s32 $0x3E000, s0  }
0x14: {  	s23 =	sadd.s32 $0x2800, s5;
	s24 =	sadd.s32 $0x5000, s5;
	s25 =	sadd.s32 $0x7800, s5  }
0x15: {  	s14 =	sadd.s32 $0xA000, s5;
	s15 =	sadd.s32 $0xC800, s5;
	[dreg:$0x5] =	wrdreg s23  }
0x16: {  	s16 =	sadd.s32 $0xF000, s5;
	s17 =	sadd.s32 $0x11800, s5;
	[dreg:$0x6] =	wrdreg s24  }
0x17: {  	s19 =	sshrl.u32 s5, $0x3;
	s0 =	simm.s32 $0x0;
	[dreg:$0x7] =	wrdreg s25  }
0x18: {  	v0 =	vimm.f32 $0.0e+00;
	s23 =	simm.s32 $0x2800;
	s24 =	simm.s32 $0x50;
	s25 =	simm.s32 $0x6800  }
.LBB2_1:
.Ltmp0:
0x19: {  	(pc) =	sbr.rel @p0 .LBB2_3-.Ltmp0, $1  }
0x1a: {  	_ =	sdelay $0x3  }
.Ltmp1:
0x1b: {  	(pc) =	sbr.rel .LBB2_6-.Ltmp1, $3  }
0x1c: {  	_ =	sdelay $0x1  }
0x1d: {  	s6 =	rddreg [dreg:$0x4]  }
0x1e: {  	[spmem:s19], [sflag:s18] =	dma.local [hbm:s6], $0x2800  }
.LBB2_3:
0x1f: {  	s6 =	sand.u32 $0xFE00, s3  }
0x20: {  	s11 =	sand.u32 $0x70, s3;
	s12 =	sshrl.u32 s6, $0x2  }
0x21: {  	s6 =	simm.s32 $0x40;
	s12 =	sor.u32 s11, s12;
	s11 =	simm.s32 $0x0  }
.LBB2_4:
0x22: {  	p1 =	seq.s32 s6, $0x9FC0  }
0x23: {  	[tilespmem:s12+$0x6800] =	vst v0;
	s11 =	sadd.s32 $0x10, s11;
	s12 =	smov.u32 s6;
	s6 =	sadd.s32 $0x40, s6  }
.Ltmp2:
0x24: {  	(pc) =	sbr.rel @!p1 .LBB2_4-.Ltmp2, $4  }
0x25: {  	_ = 	snop  }
0x26: {  	s12 =	sand.u32 $0xFE00, s12  }
0x27: {  	s13 =	sand.u32 $0x70, s11;
	s12 =	sshrl.u32 s12, $0x2  }
0x28: {  	s12 =	sor.u32 s13, s12  }
0x29: {  	[tilespmem:s12+$0x6800] =	vst v0  }
0x2a: {  	[spmem:s5] =	stream.linear.scatter [tilespmem:s25], [sflag:$0x5], $0x2800, $0x38;
	[tilespmem:$0x1F800] =	vst v63  }
0x2b: {  	_ =	swait.ge [sflag:s20], $0x2800  }
0x2c: {  	[sflag:s20] =	ssyncset.done $0x0  }
0x2d: {  	s6 =	rddreg [dreg:$0x5];
	[sflag:s20] =	ssyncadd.s32 $0xFFFFD800  }
0x2e: {  	[spmem:s6] =	stream.linear.scatter [tilespmem:s25], [sflag:$0x5], $0x2800, $0x38;
	[tilespmem:$0x1F800] =	vst v63  }
0x2f: {  	_ =	swait.ge [sflag:s20], $0x2800  }
0x30: {  	[sflag:s20] =	ssyncset.done $0x0  }
0x31: {  	s12 =	rddreg [dreg:$0x6];
	[sflag:s20] =	ssyncadd.s32 $0xFFFFD800  }
0x32: {  	[spmem:s12] =	stream.linear.scatter [tilespmem:s25], [sflag:$0x5], $0x2800, $0x38;
	[tilespmem:$0x1F800] =	vst v63  }
0x33: {  	_ =	swait.ge [sflag:s20], $0x2800  }
0x34: {  	[sflag:s20] =	ssyncset.done $0x0  }
0x35: {  	s13 =	rddreg [dreg:$0x7];
	[sflag:s20] =	ssyncadd.s32 $0xFFFFD800  }
0x36: {  	[spmem:s13] =	stream.linear.scatter [tilespmem:s25], [sflag:$0x5], $0x2800, $0x38;
	[tilespmem:$0x1F800] =	vst v63  }
0x37: {  	_ =	swait.ge [sflag:s20], $0x2800  }
0x38: {  	[sflag:s20] =	ssyncset.done $0x0  }
0x39: {  	[sflag:s20] =	ssyncadd.s32 $0xFFFFD800  }
0x3a: {  	[spmem:s14] =	stream.linear.scatter [tilespmem:s25], [sflag:$0x5], $0x2800, $0x38;
	[tilespmem:$0x1F800] =	vst v63  }
0x3b: {  	_ =	swait.ge [sflag:s20], $0x2800  }
0x3c: {  	[sflag:s20] =	ssyncset.done $0x0  }
0x3d: {  	[sflag:s20] =	ssyncadd.s32 $0xFFFFD800  }
0x3e: {  	[spmem:s15] =	stream.linear.scatter [tilespmem:s25], [sflag:$0x5], $0x2800, $0x38;
	[tilespmem:$0x1F800] =	vst v63  }
0x3f: {  	_ =	swait.ge [sflag:s20], $0x2800  }
0x40: {  	[sflag:s20] =	ssyncset.done $0x0  }
0x41: {  	[sflag:s20] =	ssyncadd.s32 $0xFFFFD800  }
0x42: {  	[spmem:s16] =	stream.linear.scatter [tilespmem:s25], [sflag:$0x5], $0x2800, $0x38;
	[tilespmem:$0x1F800] =	vst v63  }
0x43: {  	_ =	swait.ge [sflag:s20], $0x2800  }
0x44: {  	[sflag:s20] =	ssyncset.done $0x0  }
0x45: {  	[sflag:s20] =	ssyncadd.s32 $0xFFFFD800  }
0x46: {  	[spmem:s17] =	stream.linear.scatter [tilespmem:s25], [sflag:$0x5], $0x2800, $0x38;
	[tilespmem:$0x1F800] =	vst v63  }
.LBB2_6:
0x47: {  	_ =	swait.ge [sflag:s20], $0x2800  }
0x48: {  	[sflag:s20] =	ssyncset.done $0x0  }
0x49: {  	[sflag:s20] =	ssyncadd.s32 $0xFFFFD800  }
0x4a: {  	[tilespmem:s3], [sflag:$0x5] =	stream.strided.gather [hbm4b:s7+s21], $0x2800, s22, s21, $0x38;
	[tilespmem:$0x1F800] =	vst v63  }
0x4b: {  	_ =	swait.ge [sflag:s20], $0x2800  }
0x4c: {  	[sflag:s20] =	ssyncset.done $0x0  }
0x4d: {  	[sflag:s20] =	ssyncadd.s32 $0xFFFFD800  }
0x4e: {  	[tilespmem:s23], [sflag:$0x5] =	stream.linear.gather [hbm4b:s8+s3], $0x4000, $0x38;
	[tilespmem:$0x1F800] =	vst v63  }
0x4f: {  	_ =	swait.ge [sflag:s20], $0x4000  }
0x50: {  	[sflag:s20] =	ssyncset.done $0x0  }
0x51: {  	[sflag:s20] =	ssyncadd.s32 $0xFFFFC000  }
0x52: {  	[bflag:$0x0] =	sbarrier.arrive $0xFFFF  }
0x53: {  	[tilespmem:s25], [sflag:$0x1] =	stream.indirect.gather [hbm4b:s4+s24], $0x80, s3, s24, $0xb8;
	[tilespmem:$0x1F800] =	vst v63  }
0x54: {  	_ = 	snop  }
0x55: {  	[tilespmem:s26], [sflag:$0x2] =	stream.indirect.gather [hbm4b:s4+s24], $0x80, s24, s24, $0xb8;
	[tilespmem:$0x1F800] =	vst v63  }
0x56: {  	_ =	swait.ge [sflag:s28], $0x2800  }
0x57: {  	[sflag:s28] =	ssyncset.done $0x0  }
0x58: {  	[sflag:s28] =	ssyncadd.s32 $0xFFFFD800  }
0x59: {  	[spmem:s2] =	stream.indirect.scatter.add.f32 [tilespmem:s25], [sflag:$0x3], $0x80, s23, s24, $0xb8;
	[tilespmem:$0x1F800] =	vst v63  }
0x5a: {  	_ =	swait.ge [sflag:s29], $0x2800  }
0x5b: {  	[sflag:s29] =	ssyncset.done $0x0  }
0x5c: {  	s6 =	simm.s32 $0xA0;
	[sflag:s29] =	ssyncadd.s32 $0xFFFFD800  }
0x5d: {  	[tilespmem:s25], [sflag:$0x1] =	stream.indirect.gather [hbm4b:s4+s24], $0x80, s6, s24, $0xb8;
	[tilespmem:$0x1F800] =	vst v63  }
0x5e: {  	_ =	swait.ge [sflag:s30], $0x2800  }
0x5f: {  	[sflag:s30] =	ssyncset.done $0x0  }
0x60: {  	s12 =	simm.s32 $0x2880;
	[sflag:s30] =	ssyncadd.s32 $0xFFFFD800  }
0x61: {  	[spmem:s2] =	stream.indirect.scatter.add.f32 [tilespmem:s26], [sflag:$0x4], $0x80, s12, s24, $0xb8;
	[tilespmem:$0x1F800] =	vst v63  }
0x62: {  	_ =	swait.ge [sflag:s31], $0x2800  }
0x63: {  	[sflag:s31] =	ssyncset.done $0x0  }
0x64: {  	s13 =	simm.s32 $0xF0;
	[sflag:s31] =	ssyncadd.s32 $0xFFFFD800  }
0x65: {  	[tilespmem:s26], [sflag:$0x2] =	stream.indirect.gather [hbm4b:s4+s24], $0x80, s13, s24, $0xb8;
	[tilespmem:$0x1F800] =	vst v63  }
0x66: {  	_ =	swait.ge [sflag:s28], $0x2800  }
0x67: {  	s11 =	simm.s32 $0x190;
	[sflag:s28] =	ssyncset.done $0x0  }
0x68: {  	s6 =	simm.s32 $0xFFFF0800;
	s12 =	simm.s32 $0x2900;
	[sflag:s28] =	ssyncadd.s32 $0xFFFFD800  }
.LBB2_7:
0x69: {  	[spmem:s2] =	stream.indirect.scatter.add.f32 [tilespmem:s25], [sflag:$0x3], $0x80, s12, s24, $0xb8;
	[tilespmem:$0x1F800] =	vst v63  }
0x6a: {  	s12 =	smov.u32 s6  }
0x6b: {  	p1 =	sne.s32 s6, $0xFFFFFC00;
	s6 =	sadd.s32 $0x400, s6;
	_ =	swait.ge [sflag:s29], $0x2800  }
0x6c: {  	[sflag:s29] =	ssyncset.done $0x0  }
0x6d: {  	s13 =	sadd.s32 $0xFFFFFFB0, s11;
	[sflag:s29] =	ssyncadd.s32 $0xFFFFD800  }
0x6e: {  	[tilespmem:s25], [sflag:$0x1] =	stream.indirect.gather [hbm4b:s4+s24], $0x80, s13, s24, $0xb8;
	[tilespmem:$0x1F800] =	vst v63  }
0x6f: {  	_ =	swait.ge [sflag:s30], $0x2800  }
0x70: {  	s12 =	sshra.s32 s12, $0x2;
	[sflag:s30] =	ssyncset.done $0x0  }
0x71: {  	s13 =	sadd.s32 $0x6780, s12;
	[sflag:s30] =	ssyncadd.s32 $0xFFFFD800  }
0x72: {  	[spmem:s2] =	stream.indirect.scatter.add.f32 [tilespmem:s26], [sflag:$0x4], $0x80, s13, s24, $0xb8;
	[tilespmem:$0x1F800] =	vst v63  }
0x73: {  	_ =	swait.ge [sflag:s31], $0x2800  }
0x74: {  	[sflag:s31] =	ssyncset.done $0x0  }
.Ltmp3:
0x75: {  	[sflag:s31] =	ssyncadd.s32 $0xFFFFD800;
	(pc) =	sbr.rel @p1 .LBB2_7-.Ltmp3, $4  }
0x76: {  	[tilespmem:s26], [sflag:$0x2] =	stream.indirect.gather [hbm4b:s4+s24], $0x80, s11, s24, $0xb8;
	[tilespmem:$0x1F800] =	vst v63  }
0x77: {  	_ =	swait.ge [sflag:s28], $0x2800  }
0x78: {  	[sflag:s28] =	ssyncset.done $0x0  }
0x79: {  	s12 =	sadd.s32 $0x6800, s12;
	s11 =	sadd.s32 $0xA0, s11;
	[sflag:s28] =	ssyncadd.s32 $0xFFFFD800  }
0x7a: {  	[spmem:s2] =	stream.indirect.scatter.add.f32 [tilespmem:s25], [sflag:$0x3], $0x80, s12, s24, $0xb8;
	[tilespmem:$0x1F800] =	vst v63  }
0x7b: {  	_ =	swait.ge [sflag:s30], $0x2800  }
0x7c: {  	[sflag:s30] =	ssyncset.done $0x0  }
0x7d: {  	[sflag:s30] =	ssyncadd.s32 $0xFFFFD800  }
0x7e: {  	[spmem:s2] =	stream.indirect.scatter.add.f32 [tilespmem:s26], [sflag:$0x4], $0x80, s1, s24, $0xb8;
	[tilespmem:$0x1F800] =	vst v63  }
0x7f: {  	_ =	swait.ge [sflag:s29], $0x2800  }
0x80: {  	[sflag:s29] =	ssyncset.done $0x0  }
0x81: {  	[sflag:s29] =	ssyncadd.s32 $0xFFFFD800  }
0x82: {  	_ =	swait.ge [sflag:s31], $0x2800  }
0x83: {  	s0 =	sadd.s32 $0x1, s0;
	[sflag:s31] =	ssyncset.done $0x0  }
0x84: {  	p1 =	sne.s32 s0, s10;
	[sflag:s31] =	ssyncadd.s32 $0xFFFFD800  }
.Ltmp4:
0x85: {  	[bflag:$0x0] =	sbarrier.arrive $0xFFFF;
	(pc) =	sbr.rel @p1 .LBB2_1-.Ltmp4, $4  }
0x86: {  	[hbm:s9], [sflag:s18] =	dma.local [spmem:s19], $0x2800  }
0x87: {  	_ =	swait.ge [sflag:s20], $0x2800  }
0x88: {  	[sflag:s20] =	ssyncset.done $0x0  }
0x89: {  	[sflag:s20] =	ssyncadd.s32 $0xFFFFD800  }
0x8a: {  	_ =	sfence.sel $0x180000  }
0x8b: {  	[bflag:$0x0] =	sbarrier.arrive $0xFFFF  }
0x8c: {  	_ =	strace $0x9000004A  }
0x8d: {  	s0 =	stileid.u32;
	[bflag:$0x2] =	sbarrier.arrive $0xFFFF  }
0x8e: {  	p0 =	sne.s32 s0, $0x0;
	s0 =	rddreg [dreg:$0x3]  }
0x8f: {  	s0 =	sadd.s32 @!p0 $0x100000, s0  }
0x90: {  	[sflag:s0] =	ssyncadd.tile.s32 @!p0 $0x1;
	_ =	shalt  }
.Lfunc_end2:
_tile_overlayer_lowered:
.L_overlay_start_2:
0x91: {  	(tag) =	ssettag $0x2  }
0x92: {  	s0 =	rddreg [dreg:$0x0];
	s2 =	stileid.u32  }
0x93: {  	s1 =	rddreg [dreg:$0x1];
	p0 =	sne.s32 s2, $0x0  }
0x94: {  	s3 =	rddreg [dreg:$0x2];
	[bflag:$0x3] =	sbarrier.arrive $0xFFFF;
	s2 =	simm.s32 @!p0 $0x1C05  }
0x95: {  	[timem:s3], [sflag:s2] =	dma.local @!p0 [hbm:s0], s1  }
0x96: {  	s0 =	simm.s32 @!p0 $0x5  }
0x97: {  	_ =	swait.ge @!p0 [sflag:s0], s1  }
0x98: {  	s1 =	ssub.s32 @!p0 $0x0, s1;
	[sflag:s0] =	ssyncset.done @!p0 $0x0  }
0x99: {  	[sflag:s0] =	ssyncadd.s32 @!p0 s1  }
0x9a: {  	[bflag:$0x3] =	sbarrier.arrive $0xFFFF  }
0x9b: {  	_ =	shalt  }

</sc_bundles>
